<compile_context>
chip_gen: v7x
topology: tpu7x:2x2x1
jax: 0.10.2.dev20260603
libtpu: 0.0.44.dev20260713+nightly
codegen_flags: <defaults>
</compile_context>

<pallas_src>
import functools

import jax
import jax.numpy as jnp
from jax import lax
from jax.experimental import pallas as pl
from jax.experimental.pallas import tpu as pltpu
from jax.experimental.pallas import tpu_sc as plsc

_NC = 2
_NS = 16
_C = 80
_N_PAD = 10240


def _sc_segment_sum(x, ei_flat, n_edges):
  n_nodes, d = x.shape
  n_pad = _N_PAD
  assert n_edges % 8 == 0
  rows_per_tile = n_pad // _NS
  assert rows_per_tile % _C == 0
  nw = _NC * _NS
  nfull = n_edges // _C
  tail = n_edges % _C
  per, rem = divmod(nfull, nw)
  assert per >= 8
  nq, rq = divmod(per - 2, 6)
  if rq == 0:
    nq, rq = nq - 1, 6

  mesh = plsc.VectorSubcoreMesh(
      core_axis_name="c", subcore_axis_name="s",
      num_cores=_NC, num_subcores=_NS)

  @functools.partial(
      pl.kernel,
      out_type=jax.ShapeDtypeStruct((_NC, n_pad, d), jnp.float32),
      mesh=mesh,
      scratch_types=[
          pltpu.VMEM_SHARED((n_pad, d), jnp.float32),
          pltpu.VMEM((6, _C), jnp.int32),
          pltpu.VMEM((6, _C), jnp.int32),
          pltpu.VMEM((_C, d), jnp.float32),
          pltpu.VMEM((_C, d), jnp.float32),
          pltpu.VMEM((_C, d), jnp.float32),
          pltpu.SemaphoreType.DMA,
          pltpu.SemaphoreType.DMA,
          pltpu.SemaphoreType.DMA,
          pltpu.SemaphoreType.DMA,
          pltpu.SemaphoreType.DMA,
          pltpu.SemaphoreType.DMA,
          pltpu.SemaphoreType.DMA,
          pltpu.SemaphoreType.DMA,
          pltpu.SemaphoreType.DMA,
          pltpu.SemaphoreType.DMA,
          pltpu.SemaphoreType.DMA,
          pltpu.SemaphoreType.DMA,
      ],
  )
  def k(x_hbm, ei_hbm, out_hbm, acc, sidx, didx, rows0, rows1, rows2,
        gsem0, gsem1, gsem2, ssem0, ssem1, ssem2,
        isem0, isem1, isem2, isem3, isem4, isem5):
    cid = lax.axis_index("c")
    tid = lax.axis_index("s")
    w = cid * _NS + tid
    cbase = w * per + jnp.minimum(w, rem)
    rows = (rows0, rows1, rows2)
    gsem = (gsem0, gsem1, gsem2)
    ssem = (ssem0, ssem1, ssem2)
    isem = (isem0, isem1, isem2, isem3, isem4, isem5)

    def idx_issue(j, s, guard=None):
      def go():
        off = pl.multiple_of((cbase + j) * _C, _C)
        pltpu.async_copy(ei_hbm.at[pl.ds(off, _C)], sidx.at[s], isem[s])
        pltpu.async_copy(ei_hbm.at[pl.ds(n_edges + off, _C)], didx.at[s],
                         isem[s])
      if guard is None:
        go()
      else:
        pl.when(guard)(go)

    def idx_wait(s):
      pltpu.make_async_copy(ei_hbm.at[pl.ds(0, _C)], sidx.at[s],
                            isem[s]).wait()
      pltpu.make_async_copy(ei_hbm.at[pl.ds(0, _C)], didx.at[s],
                            isem[s]).wait()

    def gather_issue(s, b):
      pltpu.async_copy(x_hbm.at[sidx.at[s]], rows[b], gsem[b])

    def gather_wait(s, b):
      pltpu.make_async_copy(x_hbm.at[sidx.at[s]], rows[b], gsem[b]).wait()

    def scat_issue(s, b):
      pltpu.async_copy(rows[b], acc.at[didx.at[s]], ssem[b], add=True)

    def scat_wait(s, b):
      pltpu.make_async_copy(rows[b], acc.at[didx.at[s]], ssem[b]).wait()

    for j in range(4):
      idx_issue(j, j)
    idx_wait(0)
    gather_issue(0, 0)

    def zrow(i, _):
      for jj in range(d // 16):
        rows1[i, pl.ds(jj * 16, 16)] = jnp.zeros((16,), jnp.float32)
      return 0
    lax.fori_loop(0, _C, zrow, 0)
    r0 = tid * rows_per_tile
    for kk in range(rows_per_tile // _C):
      pltpu.sync_copy(rows1, acc.at[pl.ds(r0 + kk * _C, _C)])
    plsc.subcore_barrier()

    def step(j, s6, b3, w_scat, w_idx_g, i_idx, guard):
      if w_scat:
        scat_wait((s6 + 4) % 6, (b3 + 1) % 3)
      if w_idx_g:
        idx_wait((s6 + 1) % 6)
        gather_issue((s6 + 1) % 6, (b3 + 1) % 3)
      if i_idx:
        idx_issue(j + 4, (s6 + 4) % 6, guard=guard)
      gather_wait(s6, b3)
      scat_issue(s6, b3)

    step(0, 0, 0, False, True, True, None)
    step(1, 1, 1, False, True, True, None)
    def body(q, _):
      j0 = 2 + 6 * q
      for t in range(6):
        j = j0 + t
        s6 = (2 + t) % 6
        b3 = (2 + t) % 3
        step(j, s6, b3, True, True, True, j + 4 < per)
      return 0
    lax.fori_loop(0, nq, body, 0)
    for j in range(per - rq, per):
      step(j, j % 6, j % 3, True, j + 1 < per, j + 4 < per, None)
    scat_wait((per - 2) % 6, (per - 2) % 3)
    scat_wait((per - 1) % 6, (per - 1) % 3)

    if rem:
      @pl.when(w < rem)
      def _():
        off = pl.multiple_of((cbase + per) * _C, _C)
        pltpu.sync_copy(ei_hbm.at[pl.ds(off, _C)], sidx.at[0])
        pltpu.sync_copy(ei_hbm.at[pl.ds(n_edges + off, _C)], didx.at[0])
        pltpu.async_copy(x_hbm.at[sidx.at[0]], rows0, gsem0).wait()
        pltpu.sync_copy(rows0, acc.at[didx.at[0]], add=True)

    if tail:
      @pl.when(w == 0)
      def _():
        toff = nfull * _C
        pltpu.sync_copy(ei_hbm.at[pl.ds(toff, tail)],
                        sidx.at[0, pl.ds(0, tail)])
        pltpu.sync_copy(ei_hbm.at[pl.ds(n_edges + toff, tail)],
                        didx.at[0, pl.ds(0, tail)])
        pltpu.async_copy(
            x_hbm.at[sidx.at[0, pl.ds(0, tail)]], rows0.at[pl.ds(0, tail)],
            gsem0).wait()
        pltpu.sync_copy(rows0.at[pl.ds(0, tail)],
                        acc.at[didx.at[0, pl.ds(0, tail)]], add=True)
    plsc.subcore_barrier()

    pltpu.sync_copy(acc.at[pl.ds(r0, rows_per_tile)],
                    out_hbm.at[cid, pl.ds(r0, rows_per_tile)])

  return k(x, ei_flat)


def _tc_body(p_ref, x_ref, wm_ref, ws_ref, b_ref, o_ref):
  agg = p_ref[0] + p_ref[1]
  h = jnp.dot(agg, wm_ref[...], preferred_element_type=jnp.float32)
  h = h + jnp.dot(x_ref[...], ws_ref[...], preferred_element_type=jnp.float32)
  o_ref[...] = jnp.maximum(h + b_ref[...], 0.0)


def _tc_dense(partials, x, w_msg, w_self, b2):
  n, d = x.shape
  br = 2000
  grid = (n // br,)
  return pl.pallas_call(
      _tc_body,
      grid=grid,
      in_specs=[
          pl.BlockSpec((_NC, br, d), lambda i: (0, i, 0)),
          pl.BlockSpec((br, d), lambda i: (i, 0)),
          pl.BlockSpec((d, d), lambda i: (0, 0)),
          pl.BlockSpec((d, d), lambda i: (0, 0)),
          pl.BlockSpec((1, d), lambda i: (0, 0)),
      ],
      out_specs=pl.BlockSpec((br, d), lambda i: (i, 0)),
      out_shape=jax.ShapeDtypeStruct((n, d), jnp.float32),
  )(partials, x, w_msg, w_self, b2)


@jax.jit
def kernel(x, edge_index, W_msg, W_self, b):
  ei_flat = edge_index.astype(jnp.int32).reshape(-1)
  partials = _sc_segment_sum(x, ei_flat, edge_index.shape[1])
  return _tc_dense(partials, x, W_msg, W_self, b.reshape(1, -1))

# --- scband reference (transcript-rebuilt; emitter-appended) ---
"""Pipeline reference for scband-encoder-72078141161766 (READ-ONLY COPY).

The authoritative reference and input builder live on the scoring server;
editing this copy changes nothing except your own understanding.
"""

import jax, jax.numpy as jnp
import numpy as np

N_NODES = 10000
N_EDGES = 320000
D = 128

def setup_inputs(seed: int = 0) -> dict:
    key = jax.random.key(seed)
    k1, k2, k3, k4 = jax.random.split(key, 4)
    x = jax.random.normal(k1, (N_NODES, D), dtype=jnp.float32)
    edge_index = jax.random.randint(k2, (2, N_EDGES), 0, N_NODES, dtype=jnp.int64)
    scale = 1.0 / np.sqrt(D)
    W_msg = jax.random.normal(k3, (D, D), dtype=jnp.float32) * scale
    W_self = jax.random.normal(k4, (D, D), dtype=jnp.float32) * scale
    b = jnp.zeros((D,), dtype=jnp.float32)
    return {"x": x, "edge_index": edge_index, "W_msg": W_msg, "W_self": W_self, "b": b}

def reference(x, edge_index, W_msg, W_self, b):
    # GNN message passing with hidden_channels=128 (Encoder.gnn):
    # gather source node features, transform, scatter-add into destination nodes,
    # combine with self transform, nonlinearity.
    src = edge_index[0]
    dst = edge_index[1]
    msgs = jnp.take(x, src, axis=0) @ W_msg           # gather + dense
    agg = jax.ops.segment_sum(msgs, dst, num_segments=x.shape[0])  # scatter-add
    out = jax.nn.relu(agg + x @ W_self + b)
    return out

if __name__ == "__main__":
    import jax
    _d = setup_inputs()
    print(jax.jit(kernel)(*tuple(_d.values())))

</pallas_src>

<mosaic_0001>
#map = affine_map<(d0, d1) -> (0, 0)>
#map1 = affine_map<(d0, d1) -> (0)>
#map2 = affine_map<(d0, d1) -> (0, 0, 0)>
module attributes {stable_mosaic.version = 14 : i64} {
  func.func @k(%arg0: i32, %arg1: i32, %arg2: memref<10000x128xf32, #tpu.memory_space<hbm>>, %arg3: memref<640000xi32, #tpu.memory_space<hbm>>, %arg4: memref<2x10240x128xf32, #tpu.memory_space<hbm>>, %arg5: memref<10240x128xf32, #tpu.memory_space<vmem_shared>>, %arg6: memref<6x80xi32, #tpu.memory_space<vmem>>, %arg7: memref<6x80xi32, #tpu.memory_space<vmem>>, %arg8: memref<80x128xf32, #tpu.memory_space<vmem>>, %arg9: memref<80x128xf32, #tpu.memory_space<vmem>>, %arg10: memref<80x128xf32, #tpu.memory_space<vmem>>, %arg11: memref<!tpu.dma_semaphore, #tpu.memory_space<semaphore_mem>>, %arg12: memref<!tpu.dma_semaphore, #tpu.memory_space<semaphore_mem>>, %arg13: memref<!tpu.dma_semaphore, #tpu.memory_space<semaphore_mem>>, %arg14: memref<!tpu.dma_semaphore, #tpu.memory_space<semaphore_mem>>, %arg15: memref<!tpu.dma_semaphore, #tpu.memory_space<semaphore_mem>>, %arg16: memref<!tpu.dma_semaphore, #tpu.memory_space<semaphore_mem>>, %arg17: memref<!tpu.dma_semaphore, #tpu.memory_space<semaphore_mem>>, %arg18: memref<!tpu.dma_semaphore, #tpu.memory_space<semaphore_mem>>, %arg19: memref<!tpu.dma_semaphore, #tpu.memory_space<semaphore_mem>>, %arg20: memref<!tpu.dma_semaphore, #tpu.memory_space<semaphore_mem>>, %arg21: memref<!tpu.dma_semaphore, #tpu.memory_space<semaphore_mem>>, %arg22: memref<!tpu.dma_semaphore, #tpu.memory_space<semaphore_mem>>) attributes {dimension_semantics = [#tpu.dimension_semantics<core_parallel>, #tpu.dimension_semantics<subcore_parallel>], iteration_bounds = array<i64: 2, 16>, scalar_prefetch = 0 : i64, scratch_operands = 18 : i64, tpu.core_type = #tpu.core_type<sc_vector_subcore>, window_params = [{transform_indices = #map}, {transform_indices = #map1}, {transform_indices = #map2}]} {
    %mul3A = arith.constant 16 : i32
    %mul3A_0 = arith.muli %arg0, %mul3A : i32
    %add3A = arith.addi %mul3A_0, %arg1 : i32
    %mul3A_1 = arith.constant 125 : i32
    %mul3A_2 = arith.muli %add3A, %mul3A_1 : i32
    %min3A = arith.constant 0 : i32
    %min3A_3 = arith.minsi %add3A, %min3A : i32
    %add3A_4 = arith.addi %mul3A_2, %min3A_3 : i32
    %add3A_5 = arith.constant 0 : i32
    %add3A_6 = arith.addi %add3A_4, %add3A_5 : i32
    %mul3A_7 = arith.constant 80 : i32
    %mul3A_8 = arith.muli %add3A_6, %mul3A_7 : i32
    %multiple_of3A = tpu.assume_multiple %mul3A_8, 80 : i32
    %dma_start3A = arith.constant 0 : i32
    %dma_start3A_9 = arith.constant 0 : i32
    %dma_start3A_10 = tpu.memref_slice %arg6[%dma_start3A, %dma_start3A_9] : memref<6x80xi32, #tpu.memory_space<vmem>> -> memref<1x80xi32, #tpu.memory_space<vmem>>
    %dma_start3A_11 = tpu.memref_squeeze %dma_start3A_10 : memref<1x80xi32, #tpu.memory_space<vmem>> -> memref<80xi32, #tpu.memory_space<vmem>>
    %dma_start3A_12 = tpu.memref_slice %arg3[%multiple_of3A] : memref<640000xi32, #tpu.memory_space<hbm>> -> memref<80xi32, #tpu.memory_space<hbm>>
    %dma_start3A_13 = arith.constant 0 : i32
    %dma_start3A_14 = tpu.memref_slice %arg6[%dma_start3A, %dma_start3A_13] : memref<6x80xi32, #tpu.memory_space<vmem>> -> memref<1x80xi32, #tpu.memory_space<vmem>>
    %dma_start3A_15 = tpu.memref_squeeze %dma_start3A_14 : memref<1x80xi32, #tpu.memory_space<vmem>> -> memref<80xi32, #tpu.memory_space<vmem>>
    %dma_start3A_16 = tpu.memref_slice %arg3[%multiple_of3A] : memref<640000xi32, #tpu.memory_space<hbm>> -> memref<80xi32, #tpu.memory_space<hbm>>
    tpu.enqueue_dma source(%dma_start3A_16 : memref<80xi32, #tpu.memory_space<hbm>>) target(%dma_start3A_15 : memref<80xi32, #tpu.memory_space<vmem>>) target_semaphore(%arg17 : memref<!tpu.dma_semaphore, #tpu.memory_space<semaphore_mem>>)
    %add3A_17 = arith.constant 320000 : i32
    %add3A_18 = arith.addi %add3A_17, %multiple_of3A : i32
    %dma_start3A_19 = arith.constant 0 : i32
    %dma_start3A_20 = arith.constant 0 : i32
    %dma_start3A_21 = tpu.memref_slice %arg7[%dma_start3A_19, %dma_start3A_20] : memref<6x80xi32, #tpu.memory_space<vmem>> -> memref<1x80xi32, #tpu.memory_space<vmem>>
    %dma_start3A_22 = tpu.memref_squeeze %dma_start3A_21 : memref<1x80xi32, #tpu.memory_space<vmem>> -> memref<80xi32, #tpu.memory_space<vmem>>
    %dma_start3A_23 = tpu.memref_slice %arg3[%add3A_18] : memref<640000xi32, #tpu.memory_space<hbm>> -> memref<80xi32, #tpu.memory_space<hbm>>
    %dma_start3A_24 = arith.constant 0 : i32
    %dma_start3A_25 = tpu.memref_slice %arg7[%dma_start3A_19, %dma_start3A_24] : memref<6x80xi32, #tpu.memory_space<vmem>> -> memref<1x80xi32, #tpu.memory_space<vmem>>
    %dma_start3A_26 = tpu.memref_squeeze %dma_start3A_25 : memref<1x80xi32, #tpu.memory_space<vmem>> -> memref<80xi32, #tpu.memory_space<vmem>>
    %dma_start3A_27 = tpu.memref_slice %arg3[%add3A_18] : memref<640000xi32, #tpu.memory_space<hbm>> -> memref<80xi32, #tpu.memory_space<hbm>>
    tpu.enqueue_dma source(%dma_start3A_27 : memref<80xi32, #tpu.memory_space<hbm>>) target(%dma_start3A_26 : memref<80xi32, #tpu.memory_space<vmem>>) target_semaphore(%arg17 : memref<!tpu.dma_semaphore, #tpu.memory_space<semaphore_mem>>)
    %add3A_28 = arith.constant 1 : i32
    %add3A_29 = arith.addi %add3A_4, %add3A_28 : i32
    %mul3A_30 = arith.constant 80 : i32
    %mul3A_31 = arith.muli %add3A_29, %mul3A_30 : i32
    %multiple_of3A_32 = tpu.assume_multiple %mul3A_31, 80 : i32
    %dma_start3A_33 = arith.constant 1 : i32
    %dma_start3A_34 = arith.constant 0 : i32
    %dma_start3A_35 = tpu.memref_slice %arg6[%dma_start3A_33, %dma_start3A_34] : memref<6x80xi32, #tpu.memory_space<vmem>> -> memref<1x80xi32, #tpu.memory_space<vmem>>
    %dma_start3A_36 = tpu.memref_squeeze %dma_start3A_35 : memref<1x80xi32, #tpu.memory_space<vmem>> -> memref<80xi32, #tpu.memory_space<vmem>>
    %dma_start3A_37 = tpu.memref_slice %arg3[%multiple_of3A_32] : memref<640000xi32, #tpu.memory_space<hbm>> -> memref<80xi32, #tpu.memory_space<hbm>>
    %dma_start3A_38 = arith.constant 0 : i32
    %dma_start3A_39 = tpu.memref_slice %arg6[%dma_start3A_33, %dma_start3A_38] : memref<6x80xi32, #tpu.memory_space<vmem>> -> memref<1x80xi32, #tpu.memory_space<vmem>>
    %dma_start3A_40 = tpu.memref_squeeze %dma_start3A_39 : memref<1x80xi32, #tpu.memory_space<vmem>> -> memref<80xi32, #tpu.memory_space<vmem>>
    %dma_start3A_41 = tpu.memref_slice %arg3[%multiple_of3A_32] : memref<640000xi32, #tpu.memory_space<hbm>> -> memref<80xi32, #tpu.memory_space<hbm>>
    tpu.enqueue_dma source(%dma_start3A_41 : memref<80xi32, #tpu.memory_space<hbm>>) target(%dma_start3A_40 : memref<80xi32, #tpu.memory_space<vmem>>) target_semaphore(%arg18 : memref<!tpu.dma_semaphore, #tpu.memory_space<semaphore_mem>>)
    %add3A_42 = arith.constant 320000 : i32
    %add3A_43 = arith.addi %add3A_42, %multiple_of3A_32 : i32
    %dma_start3A_44 = arith.constant 1 : i32
    %dma_start3A_45 = arith.constant 0 : i32
    %dma_start3A_46 = tpu.memref_slice %arg7[%dma_start3A_44, %dma_start3A_45] : memref<6x80xi32, #tpu.memory_space<vmem>> -> memref<1x80xi32, #tpu.memory_space<vmem>>
    %dma_start3A_47 = tpu.memref_squeeze %dma_start3A_46 : memref<1x80xi32, #tpu.memory_space<vmem>> -> memref<80xi32, #tpu.memory_space<vmem>>
    %dma_start3A_48 = tpu.memref_slice %arg3[%add3A_43] : memref<640000xi32, #tpu.memory_space<hbm>> -> memref<80xi32, #tpu.memory_space<hbm>>
    %dma_start3A_49 = arith.constant 0 : i32
    %dma_start3A_50 = tpu.memref_slice %arg7[%dma_start3A_44, %dma_start3A_49] : memref<6x80xi32, #tpu.memory_space<vmem>> -> memref<1x80xi32, #tpu.memory_space<vmem>>
    %dma_start3A_51 = tpu.memref_squeeze %dma_start3A_50 : memref<1x80xi32, #tpu.memory_space<vmem>> -> memref<80xi32, #tpu.memory_space<vmem>>
    %dma_start3A_52 = tpu.memref_slice %arg3[%add3A_43] : memref<640000xi32, #tpu.memory_space<hbm>> -> memref<80xi32, #tpu.memory_space<hbm>>
    tpu.enqueue_dma source(%dma_start3A_52 : memref<80xi32, #tpu.memory_space<hbm>>) target(%dma_start3A_51 : memref<80xi32, #tpu.memory_space<vmem>>) target_semaphore(%arg18 : memref<!tpu.dma_semaphore, #tpu.memory_space<semaphore_mem>>)
    %add3A_53 = arith.constant 2 : i32
    %add3A_54 = arith.addi %add3A_4, %add3A_53 : i32
    %mul3A_55 = arith.constant 80 : i32
    %mul3A_56 = arith.muli %add3A_54, %mul3A_55 : i32
    %multiple_of3A_57 = tpu.assume_multiple %mul3A_56, 80 : i32
    %dma_start3A_58 = arith.constant 2 : i32
    %dma_start3A_59 = arith.constant 0 : i32
    %dma_start3A_60 = tpu.memref_slice %arg6[%dma_start3A_58, %dma_start3A_59] : memref<6x80xi32, #tpu.memory_space<vmem>> -> memref<1x80xi32, #tpu.memory_space<vmem>>
    %dma_start3A_61 = tpu.memref_squeeze %dma_start3A_60 : memref<1x80xi32, #tpu.memory_space<vmem>> -> memref<80xi32, #tpu.memory_space<vmem>>
    %dma_start3A_62 = tpu.memref_slice %arg3[%multiple_of3A_57] : memref<640000xi32, #tpu.memory_space<hbm>> -> memref<80xi32, #tpu.memory_space<hbm>>
    %dma_start3A_63 = arith.constant 0 : i32
    %dma_start3A_64 = tpu.memref_slice %arg6[%dma_start3A_58, %dma_start3A_63] : memref<6x80xi32, #tpu.memory_space<vmem>> -> memref<1x80xi32, #tpu.memory_space<vmem>>
    %dma_start3A_65 = tpu.memref_squeeze %dma_start3A_64 : memref<1x80xi32, #tpu.memory_space<vmem>> -> memref<80xi32, #tpu.memory_space<vmem>>
    %dma_start3A_66 = tpu.memref_slice %arg3[%multiple_of3A_57] : memref<640000xi32, #tpu.memory_space<hbm>> -> memref<80xi32, #tpu.memory_space<hbm>>
    tpu.enqueue_dma source(%dma_start3A_66 : memref<80xi32, #tpu.memory_space<hbm>>) target(%dma_start3A_65 : memref<80xi32, #tpu.memory_space<vmem>>) target_semaphore(%arg19 : memref<!tpu.dma_semaphore, #tpu.memory_space<semaphore_mem>>)
    %add3A_67 = arith.constant 320000 : i32
    %add3A_68 = arith.addi %add3A_67, %multiple_of3A_57 : i32
    %dma_start3A_69 = arith.constant 2 : i32
    %dma_start3A_70 = arith.constant 0 : i32
    %dma_start3A_71 = tpu.memref_slice %arg7[%dma_start3A_69, %dma_start3A_70] : memref<6x80xi32, #tpu.memory_space<vmem>> -> memref<1x80xi32, #tpu.memory_space<vmem>>
    %dma_start3A_72 = tpu.memref_squeeze %dma_start3A_71 : memref<1x80xi32, #tpu.memory_space<vmem>> -> memref<80xi32, #tpu.memory_space<vmem>>
    %dma_start3A_73 = tpu.memref_slice %arg3[%add3A_68] : memref<640000xi32, #tpu.memory_space<hbm>> -> memref<80xi32, #tpu.memory_space<hbm>>
    %dma_start3A_74 = arith.constant 0 : i32
    %dma_start3A_75 = tpu.memref_slice %arg7[%dma_start3A_69, %dma_start3A_74] : memref<6x80xi32, #tpu.memory_space<vmem>> -> memref<1x80xi32, #tpu.memory_space<vmem>>
    %dma_start3A_76 = tpu.memref_squeeze %dma_start3A_75 : memref<1x80xi32, #tpu.memory_space<vmem>> -> memref<80xi32, #tpu.memory_space<vmem>>
    %dma_start3A_77 = tpu.memref_slice %arg3[%add3A_68] : memref<640000xi32, #tpu.memory_space<hbm>> -> memref<80xi32, #tpu.memory_space<hbm>>
    tpu.enqueue_dma source(%dma_start3A_77 : memref<80xi32, #tpu.memory_space<hbm>>) target(%dma_start3A_76 : memref<80xi32, #tpu.memory_space<vmem>>) target_semaphore(%arg19 : memref<!tpu.dma_semaphore, #tpu.memory_space<semaphore_mem>>)
    %add3A_78 = arith.constant 3 : i32
    %add3A_79 = arith.addi %add3A_4, %add3A_78 : i32
    %mul3A_80 = arith.constant 80 : i32
    %mul3A_81 = arith.muli %add3A_79, %mul3A_80 : i32
    %multiple_of3A_82 = tpu.assume_multiple %mul3A_81, 80 : i32
    %dma_start3A_83 = arith.constant 3 : i32
    %dma_start3A_84 = arith.constant 0 : i32
    %dma_start3A_85 = tpu.memref_slice %arg6[%dma_start3A_83, %dma_start3A_84] : memref<6x80xi32, #tpu.memory_space<vmem>> -> memref<1x80xi32, #tpu.memory_space<vmem>>
    %dma_start3A_86 = tpu.memref_squeeze %dma_start3A_85 : memref<1x80xi32, #tpu.memory_space<vmem>> -> memref<80xi32, #tpu.memory_space<vmem>>
    %dma_start3A_87 = tpu.memref_slice %arg3[%multiple_of3A_82] : memref<640000xi32, #tpu.memory_space<hbm>> -> memref<80xi32, #tpu.memory_space<hbm>>
    %dma_start3A_88 = arith.constant 0 : i32
    %dma_start3A_89 = tpu.memref_slice %arg6[%dma_start3A_83, %dma_start3A_88] : memref<6x80xi32, #tpu.memory_space<vmem>> -> memref<1x80xi32, #tpu.memory_space<vmem>>
    %dma_start3A_90 = tpu.memref_squeeze %dma_start3A_89 : memref<1x80xi32, #tpu.memory_space<vmem>> -> memref<80xi32, #tpu.memory_space<vmem>>
    %dma_start3A_91 = tpu.memref_slice %arg3[%multiple_of3A_82] : memref<640000xi32, #tpu.memory_space<hbm>> -> memref<80xi32, #tpu.memory_space<hbm>>
    tpu.enqueue_dma source(%dma_start3A_91 : memref<80xi32, #tpu.memory_space<hbm>>) target(%dma_start3A_90 : memref<80xi32, #tpu.memory_space<vmem>>) target_semaphore(%arg20 : memref<!tpu.dma_semaphore, #tpu.memory_space<semaphore_mem>>)
    %add3A_92 = arith.constant 320000 : i32
    %add3A_93 = arith.addi %add3A_92, %multiple_of3A_82 : i32
    %dma_start3A_94 = arith.constant 3 : i32
    %dma_start3A_95 = arith.constant 0 : i32
    %dma_start3A_96 = tpu.memref_slice %arg7[%dma_start3A_94, %dma_start3A_95] : memref<6x80xi32, #tpu.memory_space<vmem>> -> memref<1x80xi32, #tpu.memory_space<vmem>>
    %dma_start3A_97 = tpu.memref_squeeze %dma_start3A_96 : memref<1x80xi32, #tpu.memory_space<vmem>> -> memref<80xi32, #tpu.memory_space<vmem>>
    %dma_start3A_98 = tpu.memref_slice %arg3[%add3A_93] : memref<640000xi32, #tpu.memory_space<hbm>> -> memref<80xi32, #tpu.memory_space<hbm>>
    %dma_start3A_99 = arith.constant 0 : i32
    %dma_start3A_100 = tpu.memref_slice %arg7[%dma_start3A_94, %dma_start3A_99] : memref<6x80xi32, #tpu.memory_space<vmem>> -> memref<1x80xi32, #tpu.memory_space<vmem>>
    %dma_start3A_101 = tpu.memref_squeeze %dma_start3A_100 : memref<1x80xi32, #tpu.memory_space<vmem>> -> memref<80xi32, #tpu.memory_space<vmem>>
    %dma_start3A_102 = tpu.memref_slice %arg3[%add3A_93] : memref<640000xi32, #tpu.memory_space<hbm>> -> memref<80xi32, #tpu.memory_space<hbm>>
    tpu.enqueue_dma source(%dma_start3A_102 : memref<80xi32, #tpu.memory_space<hbm>>) target(%dma_start3A_101 : memref<80xi32, #tpu.memory_space<vmem>>) target_semaphore(%arg20 : memref<!tpu.dma_semaphore, #tpu.memory_space<semaphore_mem>>)
    %dma_wait3A = arith.constant 0 : i32
    %dma_wait3A_103 = arith.constant 0 : i32
    %dma_wait3A_104 = tpu.memref_slice %arg6[%dma_wait3A, %dma_wait3A_103] : memref<6x80xi32, #tpu.memory_space<vmem>> -> memref<1x80xi32, #tpu.memory_space<vmem>>
    %dma_wait3A_105 = tpu.memref_squeeze %dma_wait3A_104 : memref<1x80xi32, #tpu.memory_space<vmem>> -> memref<80xi32, #tpu.memory_space<vmem>>
    %dma_wait3A_106 = arith.constant 0 : i32
    %dma_wait3A_107 = tpu.memref_slice %arg3[%dma_wait3A_106] : memref<640000xi32, #tpu.memory_space<hbm>> -> memref<80xi32, #tpu.memory_space<hbm>>
    %dma_wait3A_108 = arith.constant 0 : i32
    %dma_wait3A_109 = tpu.memref_slice %arg6[%dma_wait3A, %dma_wait3A_108] : memref<6x80xi32, #tpu.memory_space<vmem>> -> memref<1x80xi32, #tpu.memory_space<vmem>>
    %dma_wait3A_110 = tpu.memref_squeeze %dma_wait3A_109 : memref<1x80xi32, #tpu.memory_space<vmem>> -> memref<80xi32, #tpu.memory_space<vmem>>
    %dma_wait3A_111 = arith.constant 0 : i32
    %dma_wait3A_112 = tpu.memref_slice %arg3[%dma_wait3A_111] : memref<640000xi32, #tpu.memory_space<hbm>> -> memref<80xi32, #tpu.memory_space<hbm>>
    tpu.wait_dma2 semaphore(%arg17 : memref<!tpu.dma_semaphore, #tpu.memory_space<semaphore_mem>>) src(%dma_wait3A_112 : memref<80xi32, #tpu.memory_space<hbm>>) dst(%dma_wait3A_110 : memref<80xi32, #tpu.memory_space<vmem>>)
    %dma_wait3A_113 = arith.constant 0 : i32
    %dma_wait3A_114 = arith.constant 0 : i32
    %dma_wait3A_115 = tpu.memref_slice %arg7[%dma_wait3A_113, %dma_wait3A_114] : memref<6x80xi32, #tpu.memory_space<vmem>> -> memref<1x80xi32, #tpu.memory_space<vmem>>
    %dma_wait3A_116 = tpu.memref_squeeze %dma_wait3A_115 : memref<1x80xi32, #tpu.memory_space<vmem>> -> memref<80xi32, #tpu.memory_space<vmem>>
    %dma_wait3A_117 = arith.constant 0 : i32
    %dma_wait3A_118 = tpu.memref_slice %arg3[%dma_wait3A_117] : memref<640000xi32, #tpu.memory_space<hbm>> -> memref<80xi32, #tpu.memory_space<hbm>>
    %dma_wait3A_119 = arith.constant 0 : i32
    %dma_wait3A_120 = tpu.memref_slice %arg7[%dma_wait3A_113, %dma_wait3A_119] : memref<6x80xi32, #tpu.memory_space<vmem>> -> memref<1x80xi32, #tpu.memory_space<vmem>>
    %dma_wait3A_121 = tpu.memref_squeeze %dma_wait3A_120 : memref<1x80xi32, #tpu.memory_space<vmem>> -> memref<80xi32, #tpu.memory_space<vmem>>
    %dma_wait3A_122 = arith.constant 0 : i32
    %dma_wait3A_123 = tpu.memref_slice %arg3[%dma_wait3A_122] : memref<640000xi32, #tpu.memory_space<hbm>> -> memref<80xi32, #tpu.memory_space<hbm>>
    tpu.wait_dma2 semaphore(%arg17 : memref<!tpu.dma_semaphore, #tpu.memory_space<semaphore_mem>>) src(%dma_wait3A_123 : memref<80xi32, #tpu.memory_space<hbm>>) dst(%dma_wait3A_121 : memref<80xi32, #tpu.memory_space<vmem>>)
    %dma_start3A_124 = arith.constant 0 : i32
    %dma_start3A_125 = arith.constant 0 : i32
    %dma_start3A_126 = tpu.memref_slice %arg6[%dma_start3A_124, %dma_start3A_125] : memref<6x80xi32, #tpu.memory_space<vmem>> -> memref<1x80xi32, #tpu.memory_space<vmem>>
    %dma_start3A_127 = tpu.memref_squeeze %dma_start3A_126 : memref<1x80xi32, #tpu.memory_space<vmem>> -> memref<80xi32, #tpu.memory_space<vmem>>
    %dma_start3A_128 = arith.constant 0 : i32
    %dma_start3A_129 = arith.constant 0 : i32
    %dma_start3A_130 = tpu.memref_slice %arg2[%dma_start3A_128, %dma_start3A_129] : memref<10000x128xf32, #tpu.memory_space<hbm>> -> memref<10000x128xf32, #tpu.memory_space<hbm>>
    tpu.enqueue_indirect_dma source(%dma_start3A_130 : memref<10000x128xf32, #tpu.memory_space<hbm>>) target(%arg8 : memref<80x128xf32, #tpu.memory_space<vmem>>) offsets(%dma_start3A_127 : memref<80xi32, #tpu.memory_space<vmem>>) semaphore(%arg11 : memref<!tpu.dma_semaphore, #tpu.memory_space<semaphore_mem>>)
    %scan3A = arith.constant 0 : i32
    %scan3A_131 = arith.constant 0 : i32
    %scan3A_132 = arith.constant 80 : i32
    %scan3A_133 = arith.addi %scan3A_131, %scan3A_132 : i32
    %scan3A_134 = arith.constant 1 : i32
    %scan3A_135 = scf.for %scan3A_434 = %scan3A_131 to %scan3A_133 step %scan3A_134 iter_args(%scan3A_435 = %scan3A) -> (i32)  : i32 {
      %broadcast_in_dim3A = arith.constant 0.000000e+00 : f32
      %broadcast_in_dim3A_436 = vector.broadcast %broadcast_in_dim3A : f32 to vector<16xf32>
      %swap3A = arith.index_cast %scan3A_434 : i32 to index
      %swap3A_437 = arith.constant 0 : index
      %swap3A_438 = tpu.vector_load %arg9[%swap3A, %swap3A_437] {strides = array<i32>} : memref<80x128xf32, #tpu.memory_space<vmem>>, vector<1x16xf32>,
      %swap3A_439 = vector.shape_cast %swap3A_438 : vector<1x16xf32> to vector<16xf32>
      %swap3A_440 = vector.shape_cast %broadcast_in_dim3A_436 : vector<16xf32> to vector<1x16xf32>
      tpu.vector_store %arg9[%swap3A, %swap3A_437], %swap3A_440 {strides = array<i32>} : memref<80x128xf32, #tpu.memory_space<vmem>>, vector<1x16xf32>,
      %broadcast_in_dim3A_441 = arith.constant 0.000000e+00 : f32
      %broadcast_in_dim3A_442 = vector.broadcast %broadcast_in_dim3A_441 : f32 to vector<16xf32>
      %swap3A_443 = arith.index_cast %scan3A_434 : i32 to index
      %swap3A_444 = arith.constant 16 : index
      %swap3A_445 = tpu.vector_load %arg9[%swap3A_443, %swap3A_444] {strides = array<i32>} : memref<80x128xf32, #tpu.memory_space<vmem>>, vector<1x16xf32>,
      %swap3A_446 = vector.shape_cast %swap3A_445 : vector<1x16xf32> to vector<16xf32>
      %swap3A_447 = vector.shape_cast %broadcast_in_dim3A_442 : vector<16xf32> to vector<1x16xf32>
      tpu.vector_store %arg9[%swap3A_443, %swap3A_444], %swap3A_447 {strides = array<i32>} : memref<80x128xf32, #tpu.memory_space<vmem>>, vector<1x16xf32>,
      %broadcast_in_dim3A_448 = arith.constant 0.000000e+00 : f32
      %broadcast_in_dim3A_449 = vector.broadcast %broadcast_in_dim3A_448 : f32 to vector<16xf32>
      %swap3A_450 = arith.index_cast %scan3A_434 : i32 to index
      %swap3A_451 = arith.constant 32 : index
      %swap3A_452 = tpu.vector_load %arg9[%swap3A_450, %swap3A_451] {strides = array<i32>} : memref<80x128xf32, #tpu.memory_space<vmem>>, vector<1x16xf32>,
      %swap3A_453 = vector.shape_cast %swap3A_452 : vector<1x16xf32> to vector<16xf32>
      %swap3A_454 = vector.shape_cast %broadcast_in_dim3A_449 : vector<16xf32> to vector<1x16xf32>
      tpu.vector_store %arg9[%swap3A_450, %swap3A_451], %swap3A_454 {strides = array<i32>} : memref<80x128xf32, #tpu.memory_space<vmem>>, vector<1x16xf32>,
      %broadcast_in_dim3A_455 = arith.constant 0.000000e+00 : f32
      %broadcast_in_dim3A_456 = vector.broadcast %broadcast_in_dim3A_455 : f32 to vector<16xf32>
      %swap3A_457 = arith.index_cast %scan3A_434 : i32 to index
      %swap3A_458 = arith.constant 48 : index
      %swap3A_459 = tpu.vector_load %arg9[%swap3A_457, %swap3A_458] {strides = array<i32>} : memref<80x128xf32, #tpu.memory_space<vmem>>, vector<1x16xf32>,
      %swap3A_460 = vector.shape_cast %swap3A_459 : vector<1x16xf32> to vector<16xf32>
      %swap3A_461 = vector.shape_cast %broadcast_in_dim3A_456 : vector<16xf32> to vector<1x16xf32>
      tpu.vector_store %arg9[%swap3A_457, %swap3A_458], %swap3A_461 {strides = array<i32>} : memref<80x128xf32, #tpu.memory_space<vmem>>, vector<1x16xf32>,
      %broadcast_in_dim3A_462 = arith.constant 0.000000e+00 : f32
      %broadcast_in_dim3A_463 = vector.broadcast %broadcast_in_dim3A_462 : f32 to vector<16xf32>
      %swap3A_464 = arith.index_cast %scan3A_434 : i32 to index
      %swap3A_465 = arith.constant 64 : index
      %swap3A_466 = tpu.vector_load %arg9[%swap3A_464, %swap3A_465] {strides = array<i32>} : memref<80x128xf32, #tpu.memory_space<vmem>>, vector<1x16xf32>,
      %swap3A_467 = vector.shape_cast %swap3A_466 : vector<1x16xf32> to vector<16xf32>
      %swap3A_468 = vector.shape_cast %broadcast_in_dim3A_463 : vector<16xf32> to vector<1x16xf32>
      tpu.vector_store %arg9[%swap3A_464, %swap3A_465], %swap3A_468 {strides = array<i32>} : memref<80x128xf32, #tpu.memory_space<vmem>>, vector<1x16xf32>,
      %broadcast_in_dim3A_469 = arith.constant 0.000000e+00 : f32
      %broadcast_in_dim3A_470 = vector.broadcast %broadcast_in_dim3A_469 : f32 to vector<16xf32>
      %swap3A_471 = arith.index_cast %scan3A_434 : i32 to index
      %swap3A_472 = arith.constant 80 : index
      %swap3A_473 = tpu.vector_load %arg9[%swap3A_471, %swap3A_472] {strides = array<i32>} : memref<80x128xf32, #tpu.memory_space<vmem>>, vector<1x16xf32>,
      %swap3A_474 = vector.shape_cast %swap3A_473 : vector<1x16xf32> to vector<16xf32>
      %swap3A_475 = vector.shape_cast %broadcast_in_dim3A_470 : vector<16xf32> to vector<1x16xf32>
      tpu.vector_store %arg9[%swap3A_471, %swap3A_472], %swap3A_475 {strides = array<i32>} : memref<80x128xf32, #tpu.memory_space<vmem>>, vector<1x16xf32>,
      %broadcast_in_dim3A_476 = arith.constant 0.000000e+00 : f32
      %broadcast_in_dim3A_477 = vector.broadcast %broadcast_in_dim3A_476 : f32 to vector<16xf32>
      %swap3A_478 = arith.index_cast %scan3A_434 : i32 to index
      %swap3A_479 = arith.constant 96 : index
      %swap3A_480 = tpu.vector_load %arg9[%swap3A_478, %swap3A_479] {strides = array<i32>} : memref<80x128xf32, #tpu.memory_space<vmem>>, vector<1x16xf32>,
      %swap3A_481 = vector.shape_cast %swap3A_480 : vector<1x16xf32> to vector<16xf32>
      %swap3A_482 = vector.shape_cast %broadcast_in_dim3A_477 : vector<16xf32> to vector<1x16xf32>
      tpu.vector_store %arg9[%swap3A_478, %swap3A_479], %swap3A_482 {strides = array<i32>} : memref<80x128xf32, #tpu.memory_space<vmem>>, vector<1x16xf32>,
      %broadcast_in_dim3A_483 = arith.constant 0.000000e+00 : f32
      %broadcast_in_dim3A_484 = vector.broadcast %broadcast_in_dim3A_483 : f32 to vector<16xf32>
      %swap3A_485 = arith.index_cast %scan3A_434 : i32 to index
      %swap3A_486 = arith.constant 112 : index
      %swap3A_487 = tpu.vector_load %arg9[%swap3A_485, %swap3A_486] {strides = array<i32>} : memref<80x128xf32, #tpu.memory_space<vmem>>, vector<1x16xf32>,
      %swap3A_488 = vector.shape_cast %swap3A_487 : vector<1x16xf32> to vector<16xf32>
      %swap3A_489 = vector.shape_cast %broadcast_in_dim3A_484 : vector<16xf32> to vector<1x16xf32>
      tpu.vector_store %arg9[%swap3A_485, %swap3A_486], %swap3A_489 {strides = array<i32>} : memref<80x128xf32, #tpu.memory_space<vmem>>, vector<1x16xf32>,
      %scan3A_490 = arith.constant 0 : i32
      scf.yield %scan3A_490 : i32
    }
    %scan3A_136 = arith.constant 80 : i32
    %mul3A_137 = arith.constant 640 : i32
    %mul3A_138 = arith.muli %arg1, %mul3A_137 : i32
    %add3A_139 = arith.constant 0 : i32
    %add3A_140 = arith.addi %mul3A_138, %add3A_139 : i32
    "tpu.region"() ({
      %run_scoped3A = tpu.sem_alloc : memref<!tpu.dma_semaphore, #tpu.memory_space<semaphore_mem>>
      %dma_start3A_434 = arith.constant 0 : i32
      %dma_start3A_435 = tpu.memref_slice %arg5[%add3A_140, %dma_start3A_434] : memref<10240x128xf32, #tpu.memory_space<vmem_shared>> -> memref<80x128xf32, #tpu.memory_space<vmem_shared>>
      %dma_start3A_436 = arith.constant 0 : i32
      %dma_start3A_437 = tpu.memref_slice %arg5[%add3A_140, %dma_start3A_436] : memref<10240x128xf32, #tpu.memory_space<vmem_shared>> -> memref<80x128xf32, #tpu.memory_space<vmem_shared>>
      tpu.enqueue_dma source(%arg9 : memref<80x128xf32, #tpu.memory_space<vmem>>) target(%dma_start3A_437 : memref<80x128xf32, #tpu.memory_space<vmem_shared>>) target_semaphore(%run_scoped3A : memref<!tpu.dma_semaphore, #tpu.memory_space<semaphore_mem>>)
      %dma_wait3A_438 = arith.constant 0 : i32
      %dma_wait3A_439 = tpu.memref_slice %arg5[%add3A_140, %dma_wait3A_438] : memref<10240x128xf32, #tpu.memory_space<vmem_shared>> -> memref<80x128xf32, #tpu.memory_space<vmem_shared>>
      %dma_wait3A_440 = arith.constant 0 : i32
      %dma_wait3A_441 = tpu.memref_slice %arg5[%add3A_140, %dma_wait3A_440] : memref<10240x128xf32, #tpu.memory_space<vmem_shared>> -> memref<80x128xf32, #tpu.memory_space<vmem_shared>>
      tpu.wait_dma2 semaphore(%run_scoped3A : memref<!tpu.dma_semaphore, #tpu.memory_space<semaphore_mem>>) src(%arg9 : memref<80x128xf32, #tpu.memory_space<vmem>>) dst(%dma_wait3A_441 : memref<80x128xf32, #tpu.memory_space<vmem_shared>>)
      tpu.yield
    }) : () -> ()
    %add3A_141 = arith.constant 80 : i32
    %add3A_142 = arith.addi %mul3A_138, %add3A_141 : i32
    "tpu.region"() ({
      %run_scoped3A = tpu.sem_alloc : memref<!tpu.dma_semaphore, #tpu.memory_space<semaphore_mem>>
      %dma_start3A_434 = arith.constant 0 : i32
      %dma_start3A_435 = tpu.memref_slice %arg5[%add3A_142, %dma_start3A_434] : memref<10240x128xf32, #tpu.memory_space<vmem_shared>> -> memref<80x128xf32, #tpu.memory_space<vmem_shared>>
      %dma_start3A_436 = arith.constant 0 : i32
      %dma_start3A_437 = tpu.memref_slice %arg5[%add3A_142, %dma_start3A_436] : memref<10240x128xf32, #tpu.memory_space<vmem_shared>> -> memref<80x128xf32, #tpu.memory_space<vmem_shared>>
      tpu.enqueue_dma source(%arg9 : memref<80x128xf32, #tpu.memory_space<vmem>>) target(%dma_start3A_437 : memref<80x128xf32, #tpu.memory_space<vmem_shared>>) target_semaphore(%run_scoped3A : memref<!tpu.dma_semaphore, #tpu.memory_space<semaphore_mem>>)
      %dma_wait3A_438 = arith.constant 0 : i32
      %dma_wait3A_439 = tpu.memref_slice %arg5[%add3A_142, %dma_wait3A_438] : memref<10240x128xf32, #tpu.memory_space<vmem_shared>> -> memref<80x128xf32, #tpu.memory_space<vmem_shared>>
      %dma_wait3A_440 = arith.constant 0 : i32
      %dma_wait3A_441 = tpu.memref_slice %arg5[%add3A_142, %dma_wait3A_440] : memref<10240x128xf32, #tpu.memory_space<vmem_shared>> -> memref<80x128xf32, #tpu.memory_space<vmem_shared>>
      tpu.wait_dma2 semaphore(%run_scoped3A : memref<!tpu.dma_semaphore, #tpu.memory_space<semaphore_mem>>) src(%arg9 : memref<80x128xf32, #tpu.memory_space<vmem>>) dst(%dma_wait3A_441 : memref<80x128xf32, #tpu.memory_space<vmem_shared>>)
      tpu.yield
    }) : () -> ()
    %add3A_143 = arith.constant 160 : i32
    %add3A_144 = arith.addi %mul3A_138, %add3A_143 : i32
    "tpu.region"() ({
      %run_scoped3A = tpu.sem_alloc : memref<!tpu.dma_semaphore, #tpu.memory_space<semaphore_mem>>
      %dma_start3A_434 = arith.constant 0 : i32
      %dma_start3A_435 = tpu.memref_slice %arg5[%add3A_144, %dma_start3A_434] : memref<10240x128xf32, #tpu.memory_space<vmem_shared>> -> memref<80x128xf32, #tpu.memory_space<vmem_shared>>
      %dma_start3A_436 = arith.constant 0 : i32
      %dma_start3A_437 = tpu.memref_slice %arg5[%add3A_144, %dma_start3A_436] : memref<10240x128xf32, #tpu.memory_space<vmem_shared>> -> memref<80x128xf32, #tpu.memory_space<vmem_shared>>
      tpu.enqueue_dma source(%arg9 : memref<80x128xf32, #tpu.memory_space<vmem>>) target(%dma_start3A_437 : memref<80x128xf32, #tpu.memory_space<vmem_shared>>) target_semaphore(%run_scoped3A : memref<!tpu.dma_semaphore, #tpu.memory_space<semaphore_mem>>)
      %dma_wait3A_438 = arith.constant 0 : i32
      %dma_wait3A_439 = tpu.memref_slice %arg5[%add3A_144, %dma_wait3A_438] : memref<10240x128xf32, #tpu.memory_space<vmem_shared>> -> memref<80x128xf32, #tpu.memory_space<vmem_shared>>
      %dma_wait3A_440 = arith.constant 0 : i32
      %dma_wait3A_441 = tpu.memref_slice %arg5[%add3A_144, %dma_wait3A_440] : memref<10240x128xf32, #tpu.memory_space<vmem_shared>> -> memref<80x128xf32, #tpu.memory_space<vmem_shared>>
      tpu.wait_dma2 semaphore(%run_scoped3A : memref<!tpu.dma_semaphore, #tpu.memory_space<semaphore_mem>>) src(%arg9 : memref<80x128xf32, #tpu.memory_space<vmem>>) dst(%dma_wait3A_441 : memref<80x128xf32, #tpu.memory_space<vmem_shared>>)
      tpu.yield
    }) : () -> ()
    %add3A_145 = arith.constant 240 : i32
    %add3A_146 = arith.addi %mul3A_138, %add3A_145 : i32
    "tpu.region"() ({
      %run_scoped3A = tpu.sem_alloc : memref<!tpu.dma_semaphore, #tpu.memory_space<semaphore_mem>>
      %dma_start3A_434 = arith.constant 0 : i32
      %dma_start3A_435 = tpu.memref_slice %arg5[%add3A_146, %dma_start3A_434] : memref<10240x128xf32, #tpu.memory_space<vmem_shared>> -> memref<80x128xf32, #tpu.memory_space<vmem_shared>>
      %dma_start3A_436 = arith.constant 0 : i32
      %dma_start3A_437 = tpu.memref_slice %arg5[%add3A_146, %dma_start3A_436] : memref<10240x128xf32, #tpu.memory_space<vmem_shared>> -> memref<80x128xf32, #tpu.memory_space<vmem_shared>>
      tpu.enqueue_dma source(%arg9 : memref<80x128xf32, #tpu.memory_space<vmem>>) target(%dma_start3A_437 : memref<80x128xf32, #tpu.memory_space<vmem_shared>>) target_semaphore(%run_scoped3A : memref<!tpu.dma_semaphore, #tpu.memory_space<semaphore_mem>>)
      %dma_wait3A_438 = arith.constant 0 : i32
      %dma_wait3A_439 = tpu.memref_slice %arg5[%add3A_146, %dma_wait3A_438] : memref<10240x128xf32, #tpu.memory_space<vmem_shared>> -> memref<80x128xf32, #tpu.memory_space<vmem_shared>>
      %dma_wait3A_440 = arith.constant 0 : i32
      %dma_wait3A_441 = tpu.memref_slice %arg5[%add3A_146, %dma_wait3A_440] : memref<10240x128xf32, #tpu.memory_space<vmem_shared>> -> memref<80x128xf32, #tpu.memory_space<vmem_shared>>
      tpu.wait_dma2 semaphore(%run_scoped3A : memref<!tpu.dma_semaphore, #tpu.memory_space<semaphore_mem>>) src(%arg9 : memref<80x128xf32, #tpu.memory_space<vmem>>) dst(%dma_wait3A_441 : memref<80x128xf32, #tpu.memory_space<vmem_shared>>)
      tpu.yield
    }) : () -> ()
    %add3A_147 = arith.constant 320 : i32
    %add3A_148 = arith.addi %mul3A_138, %add3A_147 : i32
    "tpu.region"() ({
      %run_scoped3A = tpu.sem_alloc : memref<!tpu.dma_semaphore, #tpu.memory_space<semaphore_mem>>
      %dma_start3A_434 = arith.constant 0 : i32
      %dma_start3A_435 = tpu.memref_slice %arg5[%add3A_148, %dma_start3A_434] : memref<10240x128xf32, #tpu.memory_space<vmem_shared>> -> memref<80x128xf32, #tpu.memory_space<vmem_shared>>
      %dma_start3A_436 = arith.constant 0 : i32
      %dma_start3A_437 = tpu.memref_slice %arg5[%add3A_148, %dma_start3A_436] : memref<10240x128xf32, #tpu.memory_space<vmem_shared>> -> memref<80x128xf32, #tpu.memory_space<vmem_shared>>
      tpu.enqueue_dma source(%arg9 : memref<80x128xf32, #tpu.memory_space<vmem>>) target(%dma_start3A_437 : memref<80x128xf32, #tpu.memory_space<vmem_shared>>) target_semaphore(%run_scoped3A : memref<!tpu.dma_semaphore, #tpu.memory_space<semaphore_mem>>)
      %dma_wait3A_438 = arith.constant 0 : i32
      %dma_wait3A_439 = tpu.memref_slice %arg5[%add3A_148, %dma_wait3A_438] : memref<10240x128xf32, #tpu.memory_space<vmem_shared>> -> memref<80x128xf32, #tpu.memory_space<vmem_shared>>
      %dma_wait3A_440 = arith.constant 0 : i32
      %dma_wait3A_441 = tpu.memref_slice %arg5[%add3A_148, %dma_wait3A_440] : memref<10240x128xf32, #tpu.memory_space<vmem_shared>> -> memref<80x128xf32, #tpu.memory_space<vmem_shared>>
      tpu.wait_dma2 semaphore(%run_scoped3A : memref<!tpu.dma_semaphore, #tpu.memory_space<semaphore_mem>>) src(%arg9 : memref<80x128xf32, #tpu.memory_space<vmem>>) dst(%dma_wait3A_441 : memref<80x128xf32, #tpu.memory_space<vmem_shared>>)
      tpu.yield
    }) : () -> ()
    %add3A_149 = arith.constant 400 : i32
    %add3A_150 = arith.addi %mul3A_138, %add3A_149 : i32
    "tpu.region"() ({
      %run_scoped3A = tpu.sem_alloc : memref<!tpu.dma_semaphore, #tpu.memory_space<semaphore_mem>>
      %dma_start3A_434 = arith.constant 0 : i32
      %dma_start3A_435 = tpu.memref_slice %arg5[%add3A_150, %dma_start3A_434] : memref<10240x128xf32, #tpu.memory_space<vmem_shared>> -> memref<80x128xf32, #tpu.memory_space<vmem_shared>>
      %dma_start3A_436 = arith.constant 0 : i32
      %dma_start3A_437 = tpu.memref_slice %arg5[%add3A_150, %dma_start3A_436] : memref<10240x128xf32, #tpu.memory_space<vmem_shared>> -> memref<80x128xf32, #tpu.memory_space<vmem_shared>>
      tpu.enqueue_dma source(%arg9 : memref<80x128xf32, #tpu.memory_space<vmem>>) target(%dma_start3A_437 : memref<80x128xf32, #tpu.memory_space<vmem_shared>>) target_semaphore(%run_scoped3A : memref<!tpu.dma_semaphore, #tpu.memory_space<semaphore_mem>>)
      %dma_wait3A_438 = arith.constant 0 : i32
      %dma_wait3A_439 = tpu.memref_slice %arg5[%add3A_150, %dma_wait3A_438] : memref<10240x128xf32, #tpu.memory_space<vmem_shared>> -> memref<80x128xf32, #tpu.memory_space<vmem_shared>>
      %dma_wait3A_440 = arith.constant 0 : i32
      %dma_wait3A_441 = tpu.memref_slice %arg5[%add3A_150, %dma_wait3A_440] : memref<10240x128xf32, #tpu.memory_space<vmem_shared>> -> memref<80x128xf32, #tpu.memory_space<vmem_shared>>
      tpu.wait_dma2 semaphore(%run_scoped3A : memref<!tpu.dma_semaphore, #tpu.memory_space<semaphore_mem>>) src(%arg9 : memref<80x128xf32, #tpu.memory_space<vmem>>) dst(%dma_wait3A_441 : memref<80x128xf32, #tpu.memory_space<vmem_shared>>)
      tpu.yield
    }) : () -> ()
    %add3A_151 = arith.constant 480 : i32
    %add3A_152 = arith.addi %mul3A_138, %add3A_151 : i32
    "tpu.region"() ({
      %run_scoped3A = tpu.sem_alloc : memref<!tpu.dma_semaphore, #tpu.memory_space<semaphore_mem>>
      %dma_start3A_434 = arith.constant 0 : i32
      %dma_start3A_435 = tpu.memref_slice %arg5[%add3A_152, %dma_start3A_434] : memref<10240x128xf32, #tpu.memory_space<vmem_shared>> -> memref<80x128xf32, #tpu.memory_space<vmem_shared>>
      %dma_start3A_436 = arith.constant 0 : i32
      %dma_start3A_437 = tpu.memref_slice %arg5[%add3A_152, %dma_start3A_436] : memref<10240x128xf32, #tpu.memory_space<vmem_shared>> -> memref<80x128xf32, #tpu.memory_space<vmem_shared>>
      tpu.enqueue_dma source(%arg9 : memref<80x128xf32, #tpu.memory_space<vmem>>) target(%dma_start3A_437 : memref<80x128xf32, #tpu.memory_space<vmem_shared>>) target_semaphore(%run_scoped3A : memref<!tpu.dma_semaphore, #tpu.memory_space<semaphore_mem>>)
      %dma_wait3A_438 = arith.constant 0 : i32
      %dma_wait3A_439 = tpu.memref_slice %arg5[%add3A_152, %dma_wait3A_438] : memref<10240x128xf32, #tpu.memory_space<vmem_shared>> -> memref<80x128xf32, #tpu.memory_space<vmem_shared>>
      %dma_wait3A_440 = arith.constant 0 : i32
      %dma_wait3A_441 = tpu.memref_slice %arg5[%add3A_152, %dma_wait3A_440] : memref<10240x128xf32, #tpu.memory_space<vmem_shared>> -> memref<80x128xf32, #tpu.memory_space<vmem_shared>>
      tpu.wait_dma2 semaphore(%run_scoped3A : memref<!tpu.dma_semaphore, #tpu.memory_space<semaphore_mem>>) src(%arg9 : memref<80x128xf32, #tpu.memory_space<vmem>>) dst(%dma_wait3A_441 : memref<80x128xf32, #tpu.memory_space<vmem_shared>>)
      tpu.yield
    }) : () -> ()
    %add3A_153 = arith.constant 560 : i32
    %add3A_154 = arith.addi %mul3A_138, %add3A_153 : i32
    "tpu.region"() ({
      %run_scoped3A = tpu.sem_alloc : memref<!tpu.dma_semaphore, #tpu.memory_space<semaphore_mem>>
      %dma_start3A_434 = arith.constant 0 : i32
      %dma_start3A_435 = tpu.memref_slice %arg5[%add3A_154, %dma_start3A_434] : memref<10240x128xf32, #tpu.memory_space<vmem_shared>> -> memref<80x128xf32, #tpu.memory_space<vmem_shared>>
      %dma_start3A_436 = arith.constant 0 : i32
      %dma_start3A_437 = tpu.memref_slice %arg5[%add3A_154, %dma_start3A_436] : memref<10240x128xf32, #tpu.memory_space<vmem_shared>> -> memref<80x128xf32, #tpu.memory_space<vmem_shared>>
      tpu.enqueue_dma source(%arg9 : memref<80x128xf32, #tpu.memory_space<vmem>>) target(%dma_start3A_437 : memref<80x128xf32, #tpu.memory_space<vmem_shared>>) target_semaphore(%run_scoped3A : memref<!tpu.dma_semaphore, #tpu.memory_space<semaphore_mem>>)
      %dma_wait3A_438 = arith.constant 0 : i32
      %dma_wait3A_439 = tpu.memref_slice %arg5[%add3A_154, %dma_wait3A_438] : memref<10240x128xf32, #tpu.memory_space<vmem_shared>> -> memref<80x128xf32, #tpu.memory_space<vmem_shared>>
      %dma_wait3A_440 = arith.constant 0 : i32
      %dma_wait3A_441 = tpu.memref_slice %arg5[%add3A_154, %dma_wait3A_440] : memref<10240x128xf32, #tpu.memory_space<vmem_shared>> -> memref<80x128xf32, #tpu.memory_space<vmem_shared>>
      tpu.wait_dma2 semaphore(%run_scoped3A : memref<!tpu.dma_semaphore, #tpu.memory_space<semaphore_mem>>) src(%arg9 : memref<80x128xf32, #tpu.memory_space<vmem>>) dst(%dma_wait3A_441 : memref<80x128xf32, #tpu.memory_space<vmem_shared>>)
      tpu.yield
    }) : () -> ()
    %barrier3A = arith.constant 0 : index
    tpu.barrier barrier_id(%barrier3A)
    %dma_wait3A_155 = arith.constant 1 : i32
    %dma_wait3A_156 = arith.constant 0 : i32
    %dma_wait3A_157 = tpu.memref_slice %arg6[%dma_wait3A_155, %dma_wait3A_156] : memref<6x80xi32, #tpu.memory_space<vmem>> -> memref<1x80xi32, #tpu.memory_space<vmem>>
    %dma_wait3A_158 = tpu.memref_squeeze %dma_wait3A_157 : memref<1x80xi32, #tpu.memory_space<vmem>> -> memref<80xi32, #tpu.memory_space<vmem>>
    %dma_wait3A_159 = arith.constant 0 : i32
    %dma_wait3A_160 = tpu.memref_slice %arg3[%dma_wait3A_159] : memref<640000xi32, #tpu.memory_space<hbm>> -> memref<80xi32, #tpu.memory_space<hbm>>
    %dma_wait3A_161 = arith.constant 0 : i32
    %dma_wait3A_162 = tpu.memref_slice %arg6[%dma_wait3A_155, %dma_wait3A_161] : memref<6x80xi32, #tpu.memory_space<vmem>> -> memref<1x80xi32, #tpu.memory_space<vmem>>
    %dma_wait3A_163 = tpu.memref_squeeze %dma_wait3A_162 : memref<1x80xi32, #tpu.memory_space<vmem>> -> memref<80xi32, #tpu.memory_space<vmem>>
    %dma_wait3A_164 = arith.constant 0 : i32
    %dma_wait3A_165 = tpu.memref_slice %arg3[%dma_wait3A_164] : memref<640000xi32, #tpu.memory_space<hbm>> -> memref<80xi32, #tpu.memory_space<hbm>>
    tpu.wait_dma2 semaphore(%arg18 : memref<!tpu.dma_semaphore, #tpu.memory_space<semaphore_mem>>) src(%dma_wait3A_165 : memref<80xi32, #tpu.memory_space<hbm>>) dst(%dma_wait3A_163 : memref<80xi32, #tpu.memory_space<vmem>>)
    %dma_wait3A_166 = arith.constant 1 : i32
    %dma_wait3A_167 = arith.constant 0 : i32
    %dma_wait3A_168 = tpu.memref_slice %arg7[%dma_wait3A_166, %dma_wait3A_167] : memref<6x80xi32, #tpu.memory_space<vmem>> -> memref<1x80xi32, #tpu.memory_space<vmem>>
    %dma_wait3A_169 = tpu.memref_squeeze %dma_wait3A_168 : memref<1x80xi32, #tpu.memory_space<vmem>> -> memref<80xi32, #tpu.memory_space<vmem>>
    %dma_wait3A_170 = arith.constant 0 : i32
    %dma_wait3A_171 = tpu.memref_slice %arg3[%dma_wait3A_170] : memref<640000xi32, #tpu.memory_space<hbm>> -> memref<80xi32, #tpu.memory_space<hbm>>
    %dma_wait3A_172 = arith.constant 0 : i32
    %dma_wait3A_173 = tpu.memref_slice %arg7[%dma_wait3A_166, %dma_wait3A_172] : memref<6x80xi32, #tpu.memory_space<vmem>> -> memref<1x80xi32, #tpu.memory_space<vmem>>
    %dma_wait3A_174 = tpu.memref_squeeze %dma_wait3A_173 : memref<1x80xi32, #tpu.memory_space<vmem>> -> memref<80xi32, #tpu.memory_space<vmem>>
    %dma_wait3A_175 = arith.constant 0 : i32
    %dma_wait3A_176 = tpu.memref_slice %arg3[%dma_wait3A_175] : memref<640000xi32, #tpu.memory_space<hbm>> -> memref<80xi32, #tpu.memory_space<hbm>>
    tpu.wait_dma2 semaphore(%arg18 : memref<!tpu.dma_semaphore, #tpu.memory_space<semaphore_mem>>) src(%dma_wait3A_176 : memref<80xi32, #tpu.memory_space<hbm>>) dst(%dma_wait3A_174 : memref<80xi32, #tpu.memory_space<vmem>>)
    %dma_start3A_177 = arith.constant 1 : i32
    %dma_start3A_178 = arith.constant 0 : i32
    %dma_start3A_179 = tpu.memref_slice %arg6[%dma_start3A_177, %dma_start3A_178] : memref<6x80xi32, #tpu.memory_space<vmem>> -> memref<1x80xi32, #tpu.memory_space<vmem>>
    %dma_start3A_180 = tpu.memref_squeeze %dma_start3A_179 : memref<1x80xi32, #tpu.memory_space<vmem>> -> memref<80xi32, #tpu.memory_space<vmem>>
    %dma_start3A_181 = arith.constant 0 : i32
    %dma_start3A_182 = arith.constant 0 : i32
    %dma_start3A_183 = tpu.memref_slice %arg2[%dma_start3A_181, %dma_start3A_182] : memref<10000x128xf32, #tpu.memory_space<hbm>> -> memref<10000x128xf32, #tpu.memory_space<hbm>>
    tpu.enqueue_indirect_dma source(%dma_start3A_183 : memref<10000x128xf32, #tpu.memory_space<hbm>>) target(%arg9 : memref<80x128xf32, #tpu.memory_space<vmem>>) offsets(%dma_start3A_180 : memref<80xi32, #tpu.memory_space<vmem>>) semaphore(%arg12 : memref<!tpu.dma_semaphore, #tpu.memory_space<semaphore_mem>>)
    %add3A_184 = arith.constant 4 : i32
    %add3A_185 = arith.addi %add3A_4, %add3A_184 : i32
    %mul3A_186 = arith.constant 80 : i32
    %mul3A_187 = arith.muli %add3A_185, %mul3A_186 : i32
    %multiple_of3A_188 = tpu.assume_multiple %mul3A_187, 80 : i32
    %dma_start3A_189 = arith.constant 4 : i32
    %dma_start3A_190 = arith.constant 0 : i32
    %dma_start3A_191 = tpu.memref_slice %arg6[%dma_start3A_189, %dma_start3A_190] : memref<6x80xi32, #tpu.memory_space<vmem>> -> memref<1x80xi32, #tpu.memory_space<vmem>>
    %dma_start3A_192 = tpu.memref_squeeze %dma_start3A_191 : memref<1x80xi32, #tpu.memory_space<vmem>> -> memref<80xi32, #tpu.memory_space<vmem>>
    %dma_start3A_193 = tpu.memref_slice %arg3[%multiple_of3A_188] : memref<640000xi32, #tpu.memory_space<hbm>> -> memref<80xi32, #tpu.memory_space<hbm>>
    %dma_start3A_194 = arith.constant 0 : i32
    %dma_start3A_195 = tpu.memref_slice %arg6[%dma_start3A_189, %dma_start3A_194] : memref<6x80xi32, #tpu.memory_space<vmem>> -> memref<1x80xi32, #tpu.memory_space<vmem>>
    %dma_start3A_196 = tpu.memref_squeeze %dma_start3A_195 : memref<1x80xi32, #tpu.memory_space<vmem>> -> memref<80xi32, #tpu.memory_space<vmem>>
    %dma_start3A_197 = tpu.memref_slice %arg3[%multiple_of3A_188] : memref<640000xi32, #tpu.memory_space<hbm>> -> memref<80xi32, #tpu.memory_space<hbm>>
    tpu.enqueue_dma source(%dma_start3A_197 : memref<80xi32, #tpu.memory_space<hbm>>) target(%dma_start3A_196 : memref<80xi32, #tpu.memory_space<vmem>>) target_semaphore(%arg21 : memref<!tpu.dma_semaphore, #tpu.memory_space<semaphore_mem>>)
    %add3A_198 = arith.constant 320000 : i32
    %add3A_199 = arith.addi %add3A_198, %multiple_of3A_188 : i32
    %dma_start3A_200 = arith.constant 4 : i32
    %dma_start3A_201 = arith.constant 0 : i32
    %dma_start3A_202 = tpu.memref_slice %arg7[%dma_start3A_200, %dma_start3A_201] : memref<6x80xi32, #tpu.memory_space<vmem>> -> memref<1x80xi32, #tpu.memory_space<vmem>>
    %dma_start3A_203 = tpu.memref_squeeze %dma_start3A_202 : memref<1x80xi32, #tpu.memory_space<vmem>> -> memref<80xi32, #tpu.memory_space<vmem>>
    %dma_start3A_204 = tpu.memref_slice %arg3[%add3A_199] : memref<640000xi32, #tpu.memory_space<hbm>> -> memref<80xi32, #tpu.memory_space<hbm>>
    %dma_start3A_205 = arith.constant 0 : i32
    %dma_start3A_206 = tpu.memref_slice %arg7[%dma_start3A_200, %dma_start3A_205] : memref<6x80xi32, #tpu.memory_space<vmem>> -> memref<1x80xi32, #tpu.memory_space<vmem>>
    %dma_start3A_207 = tpu.memref_squeeze %dma_start3A_206 : memref<1x80xi32, #tpu.memory_space<vmem>> -> memref<80xi32, #tpu.memory_space<vmem>>
    %dma_start3A_208 = tpu.memref_slice %arg3[%add3A_199] : memref<640000xi32, #tpu.memory_space<hbm>> -> memref<80xi32, #tpu.memory_space<hbm>>
    tpu.enqueue_dma source(%dma_start3A_208 : memref<80xi32, #tpu.memory_space<hbm>>) target(%dma_start3A_207 : memref<80xi32, #tpu.memory_space<vmem>>) target_semaphore(%arg21 : memref<!tpu.dma_semaphore, #tpu.memory_space<semaphore_mem>>)
    %dma_wait3A_209 = arith.constant 0 : i32
    %dma_wait3A_210 = arith.constant 0 : i32
    %dma_wait3A_211 = tpu.memref_slice %arg6[%dma_wait3A_209, %dma_wait3A_210] : memref<6x80xi32, #tpu.memory_space<vmem>> -> memref<1x80xi32, #tpu.memory_space<vmem>>
    %dma_wait3A_212 = tpu.memref_squeeze %dma_wait3A_211 : memref<1x80xi32, #tpu.memory_space<vmem>> -> memref<80xi32, #tpu.memory_space<vmem>>
    %dma_wait3A_213 = arith.constant 0 : i32
    %dma_wait3A_214 = arith.constant 0 : i32
    %dma_wait3A_215 = tpu.memref_slice %arg2[%dma_wait3A_213, %dma_wait3A_214] : memref<10000x128xf32, #tpu.memory_space<hbm>> -> memref<10000x128xf32, #tpu.memory_space<hbm>>
    tpu.wait_indirect_dma semaphore(%arg11 : memref<!tpu.dma_semaphore, #tpu.memory_space<semaphore_mem>>) src(%dma_wait3A_215 : memref<10000x128xf32, #tpu.memory_space<hbm>>) dst(%arg8 : memref<80x128xf32, #tpu.memory_space<vmem>>)
    %dma_start3A_216 = arith.constant 0 : i32
    %dma_start3A_217 = arith.constant 0 : i32
    %dma_start3A_218 = tpu.memref_slice %arg7[%dma_start3A_216, %dma_start3A_217] : memref<6x80xi32, #tpu.memory_space<vmem>> -> memref<1x80xi32, #tpu.memory_space<vmem>>
    %dma_start3A_219 = tpu.memref_squeeze %dma_start3A_218 : memref<1x80xi32, #tpu.memory_space<vmem>> -> memref<80xi32, #tpu.memory_space<vmem>>
    %dma_start3A_220 = arith.constant 0 : i32
    %dma_start3A_221 = arith.constant 0 : i32
    %dma_start3A_222 = tpu.memref_slice %arg5[%dma_start3A_220, %dma_start3A_221] : memref<10240x128xf32, #tpu.memory_space<vmem_shared>> -> memref<10240x128xf32, #tpu.memory_space<vmem_shared>>
    tpu.enqueue_indirect_dma source(%arg8 : memref<80x128xf32, #tpu.memory_space<vmem>>) target(%dma_start3A_222 : memref<10240x128xf32, #tpu.memory_space<vmem_shared>>) offsets(%dma_start3A_219 : memref<80xi32, #tpu.memory_space<vmem>>) semaphore(%arg14 : memref<!tpu.dma_semaphore, #tpu.memory_space<semaphore_mem>>) {add = true}
    %dma_wait3A_223 = arith.constant 2 : i32
    %dma_wait3A_224 = arith.constant 0 : i32
    %dma_wait3A_225 = tpu.memref_slice %arg6[%dma_wait3A_223, %dma_wait3A_224] : memref<6x80xi32, #tpu.memory_space<vmem>> -> memref<1x80xi32, #tpu.memory_space<vmem>>
    %dma_wait3A_226 = tpu.memref_squeeze %dma_wait3A_225 : memref<1x80xi32, #tpu.memory_space<vmem>> -> memref<80xi32, #tpu.memory_space<vmem>>
    %dma_wait3A_227 = arith.constant 0 : i32
    %dma_wait3A_228 = tpu.memref_slice %arg3[%dma_wait3A_227] : memref<640000xi32, #tpu.memory_space<hbm>> -> memref<80xi32, #tpu.memory_space<hbm>>
    %dma_wait3A_229 = arith.constant 0 : i32
    %dma_wait3A_230 = tpu.memref_slice %arg6[%dma_wait3A_223, %dma_wait3A_229] : memref<6x80xi32, #tpu.memory_space<vmem>> -> memref<1x80xi32, #tpu.memory_space<vmem>>
    %dma_wait3A_231 = tpu.memref_squeeze %dma_wait3A_230 : memref<1x80xi32, #tpu.memory_space<vmem>> -> memref<80xi32, #tpu.memory_space<vmem>>
    %dma_wait3A_232 = arith.constant 0 : i32
    %dma_wait3A_233 = tpu.memref_slice %arg3[%dma_wait3A_232] : memref<640000xi32, #tpu.memory_space<hbm>> -> memref<80xi32, #tpu.memory_space<hbm>>
    tpu.wait_dma2 semaphore(%arg19 : memref<!tpu.dma_semaphore, #tpu.memory_space<semaphore_mem>>) src(%dma_wait3A_233 : memref<80xi32, #tpu.memory_space<hbm>>) dst(%dma_wait3A_231 : memref<80xi32, #tpu.memory_space<vmem>>)
    %dma_wait3A_234 = arith.constant 2 : i32
    %dma_wait3A_235 = arith.constant 0 : i32
    %dma_wait3A_236 = tpu.memref_slice %arg7[%dma_wait3A_234, %dma_wait3A_235] : memref<6x80xi32, #tpu.memory_space<vmem>> -> memref<1x80xi32, #tpu.memory_space<vmem>>
    %dma_wait3A_237 = tpu.memref_squeeze %dma_wait3A_236 : memref<1x80xi32, #tpu.memory_space<vmem>> -> memref<80xi32, #tpu.memory_space<vmem>>
    %dma_wait3A_238 = arith.constant 0 : i32
    %dma_wait3A_239 = tpu.memref_slice %arg3[%dma_wait3A_238] : memref<640000xi32, #tpu.memory_space<hbm>> -> memref<80xi32, #tpu.memory_space<hbm>>
    %dma_wait3A_240 = arith.constant 0 : i32
    %dma_wait3A_241 = tpu.memref_slice %arg7[%dma_wait3A_234, %dma_wait3A_240] : memref<6x80xi32, #tpu.memory_space<vmem>> -> memref<1x80xi32, #tpu.memory_space<vmem>>
    %dma_wait3A_242 = tpu.memref_squeeze %dma_wait3A_241 : memref<1x80xi32, #tpu.memory_space<vmem>> -> memref<80xi32, #tpu.memory_space<vmem>>
    %dma_wait3A_243 = arith.constant 0 : i32
    %dma_wait3A_244 = tpu.memref_slice %arg3[%dma_wait3A_243] : memref<640000xi32, #tpu.memory_space<hbm>> -> memref<80xi32, #tpu.memory_space<hbm>>
    tpu.wait_dma2 semaphore(%arg19 : memref<!tpu.dma_semaphore, #tpu.memory_space<semaphore_mem>>) src(%dma_wait3A_244 : memref<80xi32, #tpu.memory_space<hbm>>) dst(%dma_wait3A_242 : memref<80xi32, #tpu.memory_space<vmem>>)
    %dma_start3A_245 = arith.constant 2 : i32
    %dma_start3A_246 = arith.constant 0 : i32
    %dma_start3A_247 = tpu.memref_slice %arg6[%dma_start3A_245, %dma_start3A_246] : memref<6x80xi32, #tpu.memory_space<vmem>> -> memref<1x80xi32, #tpu.memory_space<vmem>>
    %dma_start3A_248 = tpu.memref_squeeze %dma_start3A_247 : memref<1x80xi32, #tpu.memory_space<vmem>> -> memref<80xi32, #tpu.memory_space<vmem>>
    %dma_start3A_249 = arith.constant 0 : i32
    %dma_start3A_250 = arith.constant 0 : i32
    %dma_start3A_251 = tpu.memref_slice %arg2[%dma_start3A_249, %dma_start3A_250] : memref<10000x128xf32, #tpu.memory_space<hbm>> -> memref<10000x128xf32, #tpu.memory_space<hbm>>
    tpu.enqueue_indirect_dma source(%dma_start3A_251 : memref<10000x128xf32, #tpu.memory_space<hbm>>) target(%arg10 : memref<80x128xf32, #tpu.memory_space<vmem>>) offsets(%dma_start3A_248 : memref<80xi32, #tpu.memory_space<vmem>>) semaphore(%arg13 : memref<!tpu.dma_semaphore, #tpu.memory_space<semaphore_mem>>)
    %add3A_252 = arith.constant 5 : i32
    %add3A_253 = arith.addi %add3A_4, %add3A_252 : i32
    %mul3A_254 = arith.constant 80 : i32
    %mul3A_255 = arith.muli %add3A_253, %mul3A_254 : i32
    %multiple_of3A_256 = tpu.assume_multiple %mul3A_255, 80 : i32
    %dma_start3A_257 = arith.constant 5 : i32
    %dma_start3A_258 = arith.constant 0 : i32
    %dma_start3A_259 = tpu.memref_slice %arg6[%dma_start3A_257, %dma_start3A_258] : memref<6x80xi32, #tpu.memory_space<vmem>> -> memref<1x80xi32, #tpu.memory_space<vmem>>
    %dma_start3A_260 = tpu.memref_squeeze %dma_start3A_259 : memref<1x80xi32, #tpu.memory_space<vmem>> -> memref<80xi32, #tpu.memory_space<vmem>>
    %dma_start3A_261 = tpu.memref_slice %arg3[%multiple_of3A_256] : memref<640000xi32, #tpu.memory_space<hbm>> -> memref<80xi32, #tpu.memory_space<hbm>>
    %dma_start3A_262 = arith.constant 0 : i32
    %dma_start3A_263 = tpu.memref_slice %arg6[%dma_start3A_257, %dma_start3A_262] : memref<6x80xi32, #tpu.memory_space<vmem>> -> memref<1x80xi32, #tpu.memory_space<vmem>>
    %dma_start3A_264 = tpu.memref_squeeze %dma_start3A_263 : memref<1x80xi32, #tpu.memory_space<vmem>> -> memref<80xi32, #tpu.memory_space<vmem>>
    %dma_start3A_265 = tpu.memref_slice %arg3[%multiple_of3A_256] : memref<640000xi32, #tpu.memory_space<hbm>> -> memref<80xi32, #tpu.memory_space<hbm>>
    tpu.enqueue_dma source(%dma_start3A_265 : memref<80xi32, #tpu.memory_space<hbm>>) target(%dma_start3A_264 : memref<80xi32, #tpu.memory_space<vmem>>) target_semaphore(%arg22 : memref<!tpu.dma_semaphore, #tpu.memory_space<semaphore_mem>>)
    %add3A_266 = arith.constant 320000 : i32
    %add3A_267 = arith.addi %add3A_266, %multiple_of3A_256 : i32
    %dma_start3A_268 = arith.constant 5 : i32
    %dma_start3A_269 = arith.constant 0 : i32
    %dma_start3A_270 = tpu.memref_slice %arg7[%dma_start3A_268, %dma_start3A_269] : memref<6x80xi32, #tpu.memory_space<vmem>> -> memref<1x80xi32, #tpu.memory_space<vmem>>
    %dma_start3A_271 = tpu.memref_squeeze %dma_start3A_270 : memref<1x80xi32, #tpu.memory_space<vmem>> -> memref<80xi32, #tpu.memory_space<vmem>>
    %dma_start3A_272 = tpu.memref_slice %arg3[%add3A_267] : memref<640000xi32, #tpu.memory_space<hbm>> -> memref<80xi32, #tpu.memory_space<hbm>>
    %dma_start3A_273 = arith.constant 0 : i32
    %dma_start3A_274 = tpu.memref_slice %arg7[%dma_start3A_268, %dma_start3A_273] : memref<6x80xi32, #tpu.memory_space<vmem>> -> memref<1x80xi32, #tpu.memory_space<vmem>>
    %dma_start3A_275 = tpu.memref_squeeze %dma_start3A_274 : memref<1x80xi32, #tpu.memory_space<vmem>> -> memref<80xi32, #tpu.memory_space<vmem>>
    %dma_start3A_276 = tpu.memref_slice %arg3[%add3A_267] : memref<640000xi32, #tpu.memory_space<hbm>> -> memref<80xi32, #tpu.memory_space<hbm>>
    tpu.enqueue_dma source(%dma_start3A_276 : memref<80xi32, #tpu.memory_space<hbm>>) target(%dma_start3A_275 : memref<80xi32, #tpu.memory_space<vmem>>) target_semaphore(%arg22 : memref<!tpu.dma_semaphore, #tpu.memory_space<semaphore_mem>>)
    %dma_wait3A_277 = arith.constant 1 : i32
    %dma_wait3A_278 = arith.constant 0 : i32
    %dma_wait3A_279 = tpu.memref_slice %arg6[%dma_wait3A_277, %dma_wait3A_278] : memref<6x80xi32, #tpu.memory_space<vmem>> -> memref<1x80xi32, #tpu.memory_space<vmem>>
    %dma_wait3A_280 = tpu.memref_squeeze %dma_wait3A_279 : memref<1x80xi32, #tpu.memory_space<vmem>> -> memref<80xi32, #tpu.memory_space<vmem>>
    %dma_wait3A_281 = arith.constant 0 : i32
    %dma_wait3A_282 = arith.constant 0 : i32
    %dma_wait3A_283 = tpu.memref_slice %arg2[%dma_wait3A_281, %dma_wait3A_282] : memref<10000x128xf32, #tpu.memory_space<hbm>> -> memref<10000x128xf32, #tpu.memory_space<hbm>>
    tpu.wait_indirect_dma semaphore(%arg12 : memref<!tpu.dma_semaphore, #tpu.memory_space<semaphore_mem>>) src(%dma_wait3A_283 : memref<10000x128xf32, #tpu.memory_space<hbm>>) dst(%arg9 : memref<80x128xf32, #tpu.memory_space<vmem>>)
    %dma_start3A_284 = arith.constant 1 : i32
    %dma_start3A_285 = arith.constant 0 : i32
    %dma_start3A_286 = tpu.memref_slice %arg7[%dma_start3A_284, %dma_start3A_285] : memref<6x80xi32, #tpu.memory_space<vmem>> -> memref<1x80xi32, #tpu.memory_space<vmem>>
    %dma_start3A_287 = tpu.memref_squeeze %dma_start3A_286 : memref<1x80xi32, #tpu.memory_space<vmem>> -> memref<80xi32, #tpu.memory_space<vmem>>
    %dma_start3A_288 = arith.constant 0 : i32
    %dma_start3A_289 = arith.constant 0 : i32
    %dma_start3A_290 = tpu.memref_slice %arg5[%dma_start3A_288, %dma_start3A_289] : memref<10240x128xf32, #tpu.memory_space<vmem_shared>> -> memref<10240x128xf32, #tpu.memory_space<vmem_shared>>
    tpu.enqueue_indirect_dma source(%arg9 : memref<80x128xf32, #tpu.memory_space<vmem>>) target(%dma_start3A_290 : memref<10240x128xf32, #tpu.memory_space<vmem_shared>>) offsets(%dma_start3A_287 : memref<80xi32, #tpu.memory_space<vmem>>) semaphore(%arg15 : memref<!tpu.dma_semaphore, #tpu.memory_space<semaphore_mem>>) {add = true}
    %scan3A_291 = arith.constant 0 : i32
    %scan3A_292 = arith.constant 0 : i32
    %scan3A_293 = arith.constant 20 : i32
    %scan3A_294 = arith.addi %scan3A_292, %scan3A_293 : i32
    %scan3A_295 = arith.constant 1 : i32
    %scan3A_296 = scf.for %scan3A_434 = %scan3A_292 to %scan3A_294 step %scan3A_295 iter_args(%scan3A_435 = %scan3A_291) -> (i32)  : i32 {
      %mul3A_436 = arith.constant 6 : i32
      %mul3A_437 = arith.muli %mul3A_436, %scan3A_434 : i32
      %add3A_438 = arith.constant 2 : i32
      %add3A_439 = arith.addi %add3A_438, %mul3A_437 : i32
      %add3A_440 = arith.constant 0 : i32
      %add3A_441 = arith.addi %add3A_439, %add3A_440 : i32
      %add3A_442 = arith.constant 4 : i32
      %add3A_443 = arith.addi %add3A_441, %add3A_442 : i32
      %lt3A = arith.constant 125 : i32
      %lt3A_444 = arith.cmpi slt, %add3A_443, %lt3A : i32
      %dma_wait3A_445 = arith.constant 0 : i32
      %dma_wait3A_446 = arith.constant 0 : i32
      %dma_wait3A_447 = tpu.memref_slice %arg7[%dma_wait3A_445, %dma_wait3A_446] : memref<6x80xi32, #tpu.memory_space<vmem>> -> memref<1x80xi32, #tpu.memory_space<vmem>>
      %dma_wait3A_448 = tpu.memref_squeeze %dma_wait3A_447 : memref<1x80xi32, #tpu.memory_space<vmem>> -> memref<80xi32, #tpu.memory_space<vmem>>
      %dma_wait3A_449 = arith.constant 0 : i32
      %dma_wait3A_450 = arith.constant 0 : i32
      %dma_wait3A_451 = tpu.memref_slice %arg5[%dma_wait3A_449, %dma_wait3A_450] : memref<10240x128xf32, #tpu.memory_space<vmem_shared>> -> memref<10240x128xf32, #tpu.memory_space<vmem_shared>>
      tpu.wait_indirect_dma semaphore(%arg14 : memref<!tpu.dma_semaphore, #tpu.memory_space<semaphore_mem>>) src(%arg8 : memref<80x128xf32, #tpu.memory_space<vmem>>) dst(%dma_wait3A_451 : memref<10240x128xf32, #tpu.memory_space<vmem_shared>>)
      %dma_wait3A_452 = arith.constant 3 : i32
      %dma_wait3A_453 = arith.constant 0 : i32
      %dma_wait3A_454 = tpu.memref_slice %arg6[%dma_wait3A_452, %dma_wait3A_453] : memref<6x80xi32, #tpu.memory_space<vmem>> -> memref<1x80xi32, #tpu.memory_space<vmem>>
      %dma_wait3A_455 = tpu.memref_squeeze %dma_wait3A_454 : memref<1x80xi32, #tpu.memory_space<vmem>> -> memref<80xi32, #tpu.memory_space<vmem>>
      %dma_wait3A_456 = arith.constant 0 : i32
      %dma_wait3A_457 = tpu.memref_slice %arg3[%dma_wait3A_456] : memref<640000xi32, #tpu.memory_space<hbm>> -> memref<80xi32, #tpu.memory_space<hbm>>
      %dma_wait3A_458 = arith.constant 0 : i32
      %dma_wait3A_459 = tpu.memref_slice %arg6[%dma_wait3A_452, %dma_wait3A_458] : memref<6x80xi32, #tpu.memory_space<vmem>> -> memref<1x80xi32, #tpu.memory_space<vmem>>
      %dma_wait3A_460 = tpu.memref_squeeze %dma_wait3A_459 : memref<1x80xi32, #tpu.memory_space<vmem>> -> memref<80xi32, #tpu.memory_space<vmem>>
      %dma_wait3A_461 = arith.constant 0 : i32
      %dma_wait3A_462 = tpu.memref_slice %arg3[%dma_wait3A_461] : memref<640000xi32, #tpu.memory_space<hbm>> -> memref<80xi32, #tpu.memory_space<hbm>>
      tpu.wait_dma2 semaphore(%arg20 : memref<!tpu.dma_semaphore, #tpu.memory_space<semaphore_mem>>) src(%dma_wait3A_462 : memref<80xi32, #tpu.memory_space<hbm>>) dst(%dma_wait3A_460 : memref<80xi32, #tpu.memory_space<vmem>>)
      %dma_wait3A_463 = arith.constant 3 : i32
      %dma_wait3A_464 = arith.constant 0 : i32
      %dma_wait3A_465 = tpu.memref_slice %arg7[%dma_wait3A_463, %dma_wait3A_464] : memref<6x80xi32, #tpu.memory_space<vmem>> -> memref<1x80xi32, #tpu.memory_space<vmem>>
      %dma_wait3A_466 = tpu.memref_squeeze %dma_wait3A_465 : memref<1x80xi32, #tpu.memory_space<vmem>> -> memref<80xi32, #tpu.memory_space<vmem>>
      %dma_wait3A_467 = arith.constant 0 : i32
      %dma_wait3A_468 = tpu.memref_slice %arg3[%dma_wait3A_467] : memref<640000xi32, #tpu.memory_space<hbm>> -> memref<80xi32, #tpu.memory_space<hbm>>
      %dma_wait3A_469 = arith.constant 0 : i32
      %dma_wait3A_470 = tpu.memref_slice %arg7[%dma_wait3A_463, %dma_wait3A_469] : memref<6x80xi32, #tpu.memory_space<vmem>> -> memref<1x80xi32, #tpu.memory_space<vmem>>
      %dma_wait3A_471 = tpu.memref_squeeze %dma_wait3A_470 : memref<1x80xi32, #tpu.memory_space<vmem>> -> memref<80xi32, #tpu.memory_space<vmem>>
      %dma_wait3A_472 = arith.constant 0 : i32
      %dma_wait3A_473 = tpu.memref_slice %arg3[%dma_wait3A_472] : memref<640000xi32, #tpu.memory_space<hbm>> -> memref<80xi32, #tpu.memory_space<hbm>>
      tpu.wait_dma2 semaphore(%arg20 : memref<!tpu.dma_semaphore, #tpu.memory_space<semaphore_mem>>) src(%dma_wait3A_473 : memref<80xi32, #tpu.memory_space<hbm>>) dst(%dma_wait3A_471 : memref<80xi32, #tpu.memory_space<vmem>>)
      %dma_start3A_474 = arith.constant 3 : i32
      %dma_start3A_475 = arith.constant 0 : i32
      %dma_start3A_476 = tpu.memref_slice %arg6[%dma_start3A_474, %dma_start3A_475] : memref<6x80xi32, #tpu.memory_space<vmem>> -> memref<1x80xi32, #tpu.memory_space<vmem>>
      %dma_start3A_477 = tpu.memref_squeeze %dma_start3A_476 : memref<1x80xi32, #tpu.memory_space<vmem>> -> memref<80xi32, #tpu.memory_space<vmem>>
      %dma_start3A_478 = arith.constant 0 : i32
      %dma_start3A_479 = arith.constant 0 : i32
      %dma_start3A_480 = tpu.memref_slice %arg2[%dma_start3A_478, %dma_start3A_479] : memref<10000x128xf32, #tpu.memory_space<hbm>> -> memref<10000x128xf32, #tpu.memory_space<hbm>>
      tpu.enqueue_indirect_dma source(%dma_start3A_480 : memref<10000x128xf32, #tpu.memory_space<hbm>>) target(%arg8 : memref<80x128xf32, #tpu.memory_space<vmem>>) offsets(%dma_start3A_477 : memref<80xi32, #tpu.memory_space<vmem>>) semaphore(%arg11 : memref<!tpu.dma_semaphore, #tpu.memory_space<semaphore_mem>>)
      %add3A_481 = arith.constant 4 : i32
      %add3A_482 = arith.addi %add3A_441, %add3A_481 : i32
      %convert_element_type3A = arith.extui %lt3A_444 : i1 to i32
      %cond3A = arith.constant 0 : i32
      %cond3A_483 = arith.cmpi ne, %convert_element_type3A, %cond3A : i32
      scf.if %cond3A_483 {
        %add3A_804 = arith.addi %add3A_4, %add3A_482 : i32
        %mul3A_805 = arith.constant 80 : i32
        %mul3A_806 = arith.muli %add3A_804, %mul3A_805 : i32
        %multiple_of3A_807 = tpu.assume_multiple %mul3A_806, 80 : i32
        %dma_start3A_808 = arith.constant 0 : i32
        %dma_start3A_809 = arith.constant 0 : i32
        %dma_start3A_810 = tpu.memref_slice %arg6[%dma_start3A_808, %dma_start3A_809] : memref<6x80xi32, #tpu.memory_space<vmem>> -> memref<1x80xi32, #tpu.memory_space<vmem>>
        %dma_start3A_811 = tpu.memref_squeeze %dma_start3A_810 : memref<1x80xi32, #tpu.memory_space<vmem>> -> memref<80xi32, #tpu.memory_space<vmem>>
        %dma_start3A_812 = tpu.memref_slice %arg3[%multiple_of3A_807] : memref<640000xi32, #tpu.memory_space<hbm>> -> memref<80xi32, #tpu.memory_space<hbm>>
        %dma_start3A_813 = arith.constant 0 : i32
        %dma_start3A_814 = tpu.memref_slice %arg6[%dma_start3A_808, %dma_start3A_813] : memref<6x80xi32, #tpu.memory_space<vmem>> -> memref<1x80xi32, #tpu.memory_space<vmem>>
        %dma_start3A_815 = tpu.memref_squeeze %dma_start3A_814 : memref<1x80xi32, #tpu.memory_space<vmem>> -> memref<80xi32, #tpu.memory_space<vmem>>
        %dma_start3A_816 = tpu.memref_slice %arg3[%multiple_of3A_807] : memref<640000xi32, #tpu.memory_space<hbm>> -> memref<80xi32, #tpu.memory_space<hbm>>
        tpu.enqueue_dma source(%dma_start3A_816 : memref<80xi32, #tpu.memory_space<hbm>>) target(%dma_start3A_815 : memref<80xi32, #tpu.memory_space<vmem>>) target_semaphore(%arg17 : memref<!tpu.dma_semaphore, #tpu.memory_space<semaphore_mem>>)
        %add3A_817 = arith.constant 320000 : i32
        %add3A_818 = arith.addi %add3A_817, %multiple_of3A_807 : i32
        %dma_start3A_819 = arith.constant 0 : i32
        %dma_start3A_820 = arith.constant 0 : i32
        %dma_start3A_821 = tpu.memref_slice %arg7[%dma_start3A_819, %dma_start3A_820] : memref<6x80xi32, #tpu.memory_space<vmem>> -> memref<1x80xi32, #tpu.memory_space<vmem>>
        %dma_start3A_822 = tpu.memref_squeeze %dma_start3A_821 : memref<1x80xi32, #tpu.memory_space<vmem>> -> memref<80xi32, #tpu.memory_space<vmem>>
        %dma_start3A_823 = tpu.memref_slice %arg3[%add3A_818] : memref<640000xi32, #tpu.memory_space<hbm>> -> memref<80xi32, #tpu.memory_space<hbm>>
        %dma_start3A_824 = arith.constant 0 : i32
        %dma_start3A_825 = tpu.memref_slice %arg7[%dma_start3A_819, %dma_start3A_824] : memref<6x80xi32, #tpu.memory_space<vmem>> -> memref<1x80xi32, #tpu.memory_space<vmem>>
        %dma_start3A_826 = tpu.memref_squeeze %dma_start3A_825 : memref<1x80xi32, #tpu.memory_space<vmem>> -> memref<80xi32, #tpu.memory_space<vmem>>
        %dma_start3A_827 = tpu.memref_slice %arg3[%add3A_818] : memref<640000xi32, #tpu.memory_space<hbm>> -> memref<80xi32, #tpu.memory_space<hbm>>
        tpu.enqueue_dma source(%dma_start3A_827 : memref<80xi32, #tpu.memory_space<hbm>>) target(%dma_start3A_826 : memref<80xi32, #tpu.memory_space<vmem>>) target_semaphore(%arg17 : memref<!tpu.dma_semaphore, #tpu.memory_space<semaphore_mem>>)
      } else {
      }
      %dma_wait3A_484 = arith.constant 2 : i32
      %dma_wait3A_485 = arith.constant 0 : i32
      %dma_wait3A_486 = tpu.memref_slice %arg6[%dma_wait3A_484, %dma_wait3A_485] : memref<6x80xi32, #tpu.memory_space<vmem>> -> memref<1x80xi32, #tpu.memory_space<vmem>>
      %dma_wait3A_487 = tpu.memref_squeeze %dma_wait3A_486 : memref<1x80xi32, #tpu.memory_space<vmem>> -> memref<80xi32, #tpu.memory_space<vmem>>
      %dma_wait3A_488 = arith.constant 0 : i32
      %dma_wait3A_489 = arith.constant 0 : i32
      %dma_wait3A_490 = tpu.memref_slice %arg2[%dma_wait3A_488, %dma_wait3A_489] : memref<10000x128xf32, #tpu.memory_space<hbm>> -> memref<10000x128xf32, #tpu.memory_space<hbm>>
      tpu.wait_indirect_dma semaphore(%arg13 : memref<!tpu.dma_semaphore, #tpu.memory_space<semaphore_mem>>) src(%dma_wait3A_490 : memref<10000x128xf32, #tpu.memory_space<hbm>>) dst(%arg10 : memref<80x128xf32, #tpu.memory_space<vmem>>)
      %dma_start3A_491 = arith.constant 2 : i32
      %dma_start3A_492 = arith.constant 0 : i32
      %dma_start3A_493 = tpu.memref_slice %arg7[%dma_start3A_491, %dma_start3A_492] : memref<6x80xi32, #tpu.memory_space<vmem>> -> memref<1x80xi32, #tpu.memory_space<vmem>>
      %dma_start3A_494 = tpu.memref_squeeze %dma_start3A_493 : memref<1x80xi32, #tpu.memory_space<vmem>> -> memref<80xi32, #tpu.memory_space<vmem>>
      %dma_start3A_495 = arith.constant 0 : i32
      %dma_start3A_496 = arith.constant 0 : i32
      %dma_start3A_497 = tpu.memref_slice %arg5[%dma_start3A_495, %dma_start3A_496] : memref<10240x128xf32, #tpu.memory_space<vmem_shared>> -> memref<10240x128xf32, #tpu.memory_space<vmem_shared>>
      tpu.enqueue_indirect_dma source(%arg10 : memref<80x128xf32, #tpu.memory_space<vmem>>) target(%dma_start3A_497 : memref<10240x128xf32, #tpu.memory_space<vmem_shared>>) offsets(%dma_start3A_494 : memref<80xi32, #tpu.memory_space<vmem>>) semaphore(%arg16 : memref<!tpu.dma_semaphore, #tpu.memory_space<semaphore_mem>>) {add = true}
      %add3A_498 = arith.constant 1 : i32
      %add3A_499 = arith.addi %add3A_439, %add3A_498 : i32
      %add3A_500 = arith.constant 4 : i32
      %add3A_501 = arith.addi %add3A_499, %add3A_500 : i32
      %lt3A_502 = arith.constant 125 : i32
      %lt3A_503 = arith.cmpi slt, %add3A_501, %lt3A_502 : i32
      %dma_wait3A_504 = arith.constant 1 : i32
      %dma_wait3A_505 = arith.constant 0 : i32
      %dma_wait3A_506 = tpu.memref_slice %arg7[%dma_wait3A_504, %dma_wait3A_505] : memref<6x80xi32, #tpu.memory_space<vmem>> -> memref<1x80xi32, #tpu.memory_space<vmem>>
      %dma_wait3A_507 = tpu.memref_squeeze %dma_wait3A_506 : memref<1x80xi32, #tpu.memory_space<vmem>> -> memref<80xi32, #tpu.memory_space<vmem>>
      %dma_wait3A_508 = arith.constant 0 : i32
      %dma_wait3A_509 = arith.constant 0 : i32
      %dma_wait3A_510 = tpu.memref_slice %arg5[%dma_wait3A_508, %dma_wait3A_509] : memref<10240x128xf32, #tpu.memory_space<vmem_shared>> -> memref<10240x128xf32, #tpu.memory_space<vmem_shared>>
      tpu.wait_indirect_dma semaphore(%arg15 : memref<!tpu.dma_semaphore, #tpu.memory_space<semaphore_mem>>) src(%arg9 : memref<80x128xf32, #tpu.memory_space<vmem>>) dst(%dma_wait3A_510 : memref<10240x128xf32, #tpu.memory_space<vmem_shared>>)
      %dma_wait3A_511 = arith.constant 4 : i32
      %dma_wait3A_512 = arith.constant 0 : i32
      %dma_wait3A_513 = tpu.memref_slice %arg6[%dma_wait3A_511, %dma_wait3A_512] : memref<6x80xi32, #tpu.memory_space<vmem>> -> memref<1x80xi32, #tpu.memory_space<vmem>>
      %dma_wait3A_514 = tpu.memref_squeeze %dma_wait3A_513 : memref<1x80xi32, #tpu.memory_space<vmem>> -> memref<80xi32, #tpu.memory_space<vmem>>
      %dma_wait3A_515 = arith.constant 0 : i32
      %dma_wait3A_516 = tpu.memref_slice %arg3[%dma_wait3A_515] : memref<640000xi32, #tpu.memory_space<hbm>> -> memref<80xi32, #tpu.memory_space<hbm>>
      %dma_wait3A_517 = arith.constant 0 : i32
      %dma_wait3A_518 = tpu.memref_slice %arg6[%dma_wait3A_511, %dma_wait3A_517] : memref<6x80xi32, #tpu.memory_space<vmem>> -> memref<1x80xi32, #tpu.memory_space<vmem>>
      %dma_wait3A_519 = tpu.memref_squeeze %dma_wait3A_518 : memref<1x80xi32, #tpu.memory_space<vmem>> -> memref<80xi32, #tpu.memory_space<vmem>>
      %dma_wait3A_520 = arith.constant 0 : i32
      %dma_wait3A_521 = tpu.memref_slice %arg3[%dma_wait3A_520] : memref<640000xi32, #tpu.memory_space<hbm>> -> memref<80xi32, #tpu.memory_space<hbm>>
      tpu.wait_dma2 semaphore(%arg21 : memref<!tpu.dma_semaphore, #tpu.memory_space<semaphore_mem>>) src(%dma_wait3A_521 : memref<80xi32, #tpu.memory_space<hbm>>) dst(%dma_wait3A_519 : memref<80xi32, #tpu.memory_space<vmem>>)
      %dma_wait3A_522 = arith.constant 4 : i32
      %dma_wait3A_523 = arith.constant 0 : i32
      %dma_wait3A_524 = tpu.memref_slice %arg7[%dma_wait3A_522, %dma_wait3A_523] : memref<6x80xi32, #tpu.memory_space<vmem>> -> memref<1x80xi32, #tpu.memory_space<vmem>>
      %dma_wait3A_525 = tpu.memref_squeeze %dma_wait3A_524 : memref<1x80xi32, #tpu.memory_space<vmem>> -> memref<80xi32, #tpu.memory_space<vmem>>
      %dma_wait3A_526 = arith.constant 0 : i32
      %dma_wait3A_527 = tpu.memref_slice %arg3[%dma_wait3A_526] : memref<640000xi32, #tpu.memory_space<hbm>> -> memref<80xi32, #tpu.memory_space<hbm>>
      %dma_wait3A_528 = arith.constant 0 : i32
      %dma_wait3A_529 = tpu.memref_slice %arg7[%dma_wait3A_522, %dma_wait3A_528] : memref<6x80xi32, #tpu.memory_space<vmem>> -> memref<1x80xi32, #tpu.memory_space<vmem>>
      %dma_wait3A_530 = tpu.memref_squeeze %dma_wait3A_529 : memref<1x80xi32, #tpu.memory_space<vmem>> -> memref<80xi32, #tpu.memory_space<vmem>>
      %dma_wait3A_531 = arith.constant 0 : i32
      %dma_wait3A_532 = tpu.memref_slice %arg3[%dma_wait3A_531] : memref<640000xi32, #tpu.memory_space<hbm>> -> memref<80xi32, #tpu.memory_space<hbm>>
      tpu.wait_dma2 semaphore(%arg21 : memref<!tpu.dma_semaphore, #tpu.memory_space<semaphore_mem>>) src(%dma_wait3A_532 : memref<80xi32, #tpu.memory_space<hbm>>) dst(%dma_wait3A_530 : memref<80xi32, #tpu.memory_space<vmem>>)
      %dma_start3A_533 = arith.constant 4 : i32
      %dma_start3A_534 = arith.constant 0 : i32
      %dma_start3A_535 = tpu.memref_slice %arg6[%dma_start3A_533, %dma_start3A_534] : memref<6x80xi32, #tpu.memory_space<vmem>> -> memref<1x80xi32, #tpu.memory_space<vmem>>
      %dma_start3A_536 = tpu.memref_squeeze %dma_start3A_535 : memref<1x80xi32, #tpu.memory_space<vmem>> -> memref<80xi32, #tpu.memory_space<vmem>>
      %dma_start3A_537 = arith.constant 0 : i32
      %dma_start3A_538 = arith.constant 0 : i32
      %dma_start3A_539 = tpu.memref_slice %arg2[%dma_start3A_537, %dma_start3A_538] : memref<10000x128xf32, #tpu.memory_space<hbm>> -> memref<10000x128xf32, #tpu.memory_space<hbm>>
      tpu.enqueue_indirect_dma source(%dma_start3A_539 : memref<10000x128xf32, #tpu.memory_space<hbm>>) target(%arg9 : memref<80x128xf32, #tpu.memory_space<vmem>>) offsets(%dma_start3A_536 : memref<80xi32, #tpu.memory_space<vmem>>) semaphore(%arg12 : memref<!tpu.dma_semaphore, #tpu.memory_space<semaphore_mem>>)
      %add3A_540 = arith.constant 4 : i32
      %add3A_541 = arith.addi %add3A_499, %add3A_540 : i32
      %convert_element_type3A_542 = arith.extui %lt3A_503 : i1 to i32
      %cond3A_543 = arith.constant 0 : i32
      %cond3A_544 = arith.cmpi ne, %convert_element_type3A_542, %cond3A_543 : i32
      scf.if %cond3A_544 {
        %add3A_804 = arith.addi %add3A_4, %add3A_541 : i32
        %mul3A_805 = arith.constant 80 : i32
        %mul3A_806 = arith.muli %add3A_804, %mul3A_805 : i32
        %multiple_of3A_807 = tpu.assume_multiple %mul3A_806, 80 : i32
        %dma_start3A_808 = arith.constant 1 : i32
        %dma_start3A_809 = arith.constant 0 : i32
        %dma_start3A_810 = tpu.memref_slice %arg6[%dma_start3A_808, %dma_start3A_809] : memref<6x80xi32, #tpu.memory_space<vmem>> -> memref<1x80xi32, #tpu.memory_space<vmem>>
        %dma_start3A_811 = tpu.memref_squeeze %dma_start3A_810 : memref<1x80xi32, #tpu.memory_space<vmem>> -> memref<80xi32, #tpu.memory_space<vmem>>
        %dma_start3A_812 = tpu.memref_slice %arg3[%multiple_of3A_807] : memref<640000xi32, #tpu.memory_space<hbm>> -> memref<80xi32, #tpu.memory_space<hbm>>
        %dma_start3A_813 = arith.constant 0 : i32
        %dma_start3A_814 = tpu.memref_slice %arg6[%dma_start3A_808, %dma_start3A_813] : memref<6x80xi32, #tpu.memory_space<vmem>> -> memref<1x80xi32, #tpu.memory_space<vmem>>
        %dma_start3A_815 = tpu.memref_squeeze %dma_start3A_814 : memref<1x80xi32, #tpu.memory_space<vmem>> -> memref<80xi32, #tpu.memory_space<vmem>>
        %dma_start3A_816 = tpu.memref_slice %arg3[%multiple_of3A_807] : memref<640000xi32, #tpu.memory_space<hbm>> -> memref<80xi32, #tpu.memory_space<hbm>>
        tpu.enqueue_dma source(%dma_start3A_816 : memref<80xi32, #tpu.memory_space<hbm>>) target(%dma_start3A_815 : memref<80xi32, #tpu.memory_space<vmem>>) target_semaphore(%arg18 : memref<!tpu.dma_semaphore, #tpu.memory_space<semaphore_mem>>)
        %add3A_817 = arith.constant 320000 : i32
        %add3A_818 = arith.addi %add3A_817, %multiple_of3A_807 : i32
        %dma_start3A_819 = arith.constant 1 : i32
        %dma_start3A_820 = arith.constant 0 : i32
        %dma_start3A_821 = tpu.memref_slice %arg7[%dma_start3A_819, %dma_start3A_820] : memref<6x80xi32, #tpu.memory_space<vmem>> -> memref<1x80xi32, #tpu.memory_space<vmem>>
        %dma_start3A_822 = tpu.memref_squeeze %dma_start3A_821 : memref<1x80xi32, #tpu.memory_space<vmem>> -> memref<80xi32, #tpu.memory_space<vmem>>
        %dma_start3A_823 = tpu.memref_slice %arg3[%add3A_818] : memref<640000xi32, #tpu.memory_space<hbm>> -> memref<80xi32, #tpu.memory_space<hbm>>
        %dma_start3A_824 = arith.constant 0 : i32
        %dma_start3A_825 = tpu.memref_slice %arg7[%dma_start3A_819, %dma_start3A_824] : memref<6x80xi32, #tpu.memory_space<vmem>> -> memref<1x80xi32, #tpu.memory_space<vmem>>
        %dma_start3A_826 = tpu.memref_squeeze %dma_start3A_825 : memref<1x80xi32, #tpu.memory_space<vmem>> -> memref<80xi32, #tpu.memory_space<vmem>>
        %dma_start3A_827 = tpu.memref_slice %arg3[%add3A_818] : memref<640000xi32, #tpu.memory_space<hbm>> -> memref<80xi32, #tpu.memory_space<hbm>>
        tpu.enqueue_dma source(%dma_start3A_827 : memref<80xi32, #tpu.memory_space<hbm>>) target(%dma_start3A_826 : memref<80xi32, #tpu.memory_space<vmem>>) target_semaphore(%arg18 : memref<!tpu.dma_semaphore, #tpu.memory_space<semaphore_mem>>)
      } else {
      }
      %dma_wait3A_545 = arith.constant 3 : i32
      %dma_wait3A_546 = arith.constant 0 : i32
      %dma_wait3A_547 = tpu.memref_slice %arg6[%dma_wait3A_545, %dma_wait3A_546] : memref<6x80xi32, #tpu.memory_space<vmem>> -> memref<1x80xi32, #tpu.memory_space<vmem>>
      %dma_wait3A_548 = tpu.memref_squeeze %dma_wait3A_547 : memref<1x80xi32, #tpu.memory_space<vmem>> -> memref<80xi32, #tpu.memory_space<vmem>>
      %dma_wait3A_549 = arith.constant 0 : i32
      %dma_wait3A_550 = arith.constant 0 : i32
      %dma_wait3A_551 = tpu.memref_slice %arg2[%dma_wait3A_549, %dma_wait3A_550] : memref<10000x128xf32, #tpu.memory_space<hbm>> -> memref<10000x128xf32, #tpu.memory_space<hbm>>
      tpu.wait_indirect_dma semaphore(%arg11 : memref<!tpu.dma_semaphore, #tpu.memory_space<semaphore_mem>>) src(%dma_wait3A_551 : memref<10000x128xf32, #tpu.memory_space<hbm>>) dst(%arg8 : memref<80x128xf32, #tpu.memory_space<vmem>>)
      %dma_start3A_552 = arith.constant 3 : i32
      %dma_start3A_553 = arith.constant 0 : i32
      %dma_start3A_554 = tpu.memref_slice %arg7[%dma_start3A_552, %dma_start3A_553] : memref<6x80xi32, #tpu.memory_space<vmem>> -> memref<1x80xi32, #tpu.memory_space<vmem>>
      %dma_start3A_555 = tpu.memref_squeeze %dma_start3A_554 : memref<1x80xi32, #tpu.memory_space<vmem>> -> memref<80xi32, #tpu.memory_space<vmem>>
      %dma_start3A_556 = arith.constant 0 : i32
      %dma_start3A_557 = arith.constant 0 : i32
      %dma_start3A_558 = tpu.memref_slice %arg5[%dma_start3A_556, %dma_start3A_557] : memref<10240x128xf32, #tpu.memory_space<vmem_shared>> -> memref<10240x128xf32, #tpu.memory_space<vmem_shared>>
      tpu.enqueue_indirect_dma source(%arg8 : memref<80x128xf32, #tpu.memory_space<vmem>>) target(%dma_start3A_558 : memref<10240x128xf32, #tpu.memory_space<vmem_shared>>) offsets(%dma_start3A_555 : memref<80xi32, #tpu.memory_space<vmem>>) semaphore(%arg14 : memref<!tpu.dma_semaphore, #tpu.memory_space<semaphore_mem>>) {add = true}
      %add3A_559 = arith.constant 2 : i32
      %add3A_560 = arith.addi %add3A_439, %add3A_559 : i32
      %add3A_561 = arith.constant 4 : i32
      %add3A_562 = arith.addi %add3A_560, %add3A_561 : i32
      %lt3A_563 = arith.constant 125 : i32
      %lt3A_564 = arith.cmpi slt, %add3A_562, %lt3A_563 : i32
      %dma_wait3A_565 = arith.constant 2 : i32
      %dma_wait3A_566 = arith.constant 0 : i32
      %dma_wait3A_567 = tpu.memref_slice %arg7[%dma_wait3A_565, %dma_wait3A_566] : memref<6x80xi32, #tpu.memory_space<vmem>> -> memref<1x80xi32, #tpu.memory_space<vmem>>
      %dma_wait3A_568 = tpu.memref_squeeze %dma_wait3A_567 : memref<1x80xi32, #tpu.memory_space<vmem>> -> memref<80xi32, #tpu.memory_space<vmem>>
      %dma_wait3A_569 = arith.constant 0 : i32
      %dma_wait3A_570 = arith.constant 0 : i32
      %dma_wait3A_571 = tpu.memref_slice %arg5[%dma_wait3A_569, %dma_wait3A_570] : memref<10240x128xf32, #tpu.memory_space<vmem_shared>> -> memref<10240x128xf32, #tpu.memory_space<vmem_shared>>
      tpu.wait_indirect_dma semaphore(%arg16 : memref<!tpu.dma_semaphore, #tpu.memory_space<semaphore_mem>>) src(%arg10 : memref<80x128xf32, #tpu.memory_space<vmem>>) dst(%dma_wait3A_571 : memref<10240x128xf32, #tpu.memory_space<vmem_shared>>)
      %dma_wait3A_572 = arith.constant 5 : i32
      %dma_wait3A_573 = arith.constant 0 : i32
      %dma_wait3A_574 = tpu.memref_slice %arg6[%dma_wait3A_572, %dma_wait3A_573] : memref<6x80xi32, #tpu.memory_space<vmem>> -> memref<1x80xi32, #tpu.memory_space<vmem>>
      %dma_wait3A_575 = tpu.memref_squeeze %dma_wait3A_574 : memref<1x80xi32, #tpu.memory_space<vmem>> -> memref<80xi32, #tpu.memory_space<vmem>>
      %dma_wait3A_576 = arith.constant 0 : i32
      %dma_wait3A_577 = tpu.memref_slice %arg3[%dma_wait3A_576] : memref<640000xi32, #tpu.memory_space<hbm>> -> memref<80xi32, #tpu.memory_space<hbm>>
      %dma_wait3A_578 = arith.constant 0 : i32
      %dma_wait3A_579 = tpu.memref_slice %arg6[%dma_wait3A_572, %dma_wait3A_578] : memref<6x80xi32, #tpu.memory_space<vmem>> -> memref<1x80xi32, #tpu.memory_space<vmem>>
      %dma_wait3A_580 = tpu.memref_squeeze %dma_wait3A_579 : memref<1x80xi32, #tpu.memory_space<vmem>> -> memref<80xi32, #tpu.memory_space<vmem>>
      %dma_wait3A_581 = arith.constant 0 : i32
      %dma_wait3A_582 = tpu.memref_slice %arg3[%dma_wait3A_581] : memref<640000xi32, #tpu.memory_space<hbm>> -> memref<80xi32, #tpu.memory_space<hbm>>
      tpu.wait_dma2 semaphore(%arg22 : memref<!tpu.dma_semaphore, #tpu.memory_space<semaphore_mem>>) src(%dma_wait3A_582 : memref<80xi32, #tpu.memory_space<hbm>>) dst(%dma_wait3A_580 : memref<80xi32, #tpu.memory_space<vmem>>)
      %dma_wait3A_583 = arith.constant 5 : i32
      %dma_wait3A_584 = arith.constant 0 : i32
      %dma_wait3A_585 = tpu.memref_slice %arg7[%dma_wait3A_583, %dma_wait3A_584] : memref<6x80xi32, #tpu.memory_space<vmem>> -> memref<1x80xi32, #tpu.memory_space<vmem>>
      %dma_wait3A_586 = tpu.memref_squeeze %dma_wait3A_585 : memref<1x80xi32, #tpu.memory_space<vmem>> -> memref<80xi32, #tpu.memory_space<vmem>>
      %dma_wait3A_587 = arith.constant 0 : i32
      %dma_wait3A_588 = tpu.memref_slice %arg3[%dma_wait3A_587] : memref<640000xi32, #tpu.memory_space<hbm>> -> memref<80xi32, #tpu.memory_space<hbm>>
      %dma_wait3A_589 = arith.constant 0 : i32
      %dma_wait3A_590 = tpu.memref_slice %arg7[%dma_wait3A_583, %dma_wait3A_589] : memref<6x80xi32, #tpu.memory_space<vmem>> -> memref<1x80xi32, #tpu.memory_space<vmem>>
      %dma_wait3A_591 = tpu.memref_squeeze %dma_wait3A_590 : memref<1x80xi32, #tpu.memory_space<vmem>> -> memref<80xi32, #tpu.memory_space<vmem>>
      %dma_wait3A_592 = arith.constant 0 : i32
      %dma_wait3A_593 = tpu.memref_slice %arg3[%dma_wait3A_592] : memref<640000xi32, #tpu.memory_space<hbm>> -> memref<80xi32, #tpu.memory_space<hbm>>
      tpu.wait_dma2 semaphore(%arg22 : memref<!tpu.dma_semaphore, #tpu.memory_space<semaphore_mem>>) src(%dma_wait3A_593 : memref<80xi32, #tpu.memory_space<hbm>>) dst(%dma_wait3A_591 : memref<80xi32, #tpu.memory_space<vmem>>)
      %dma_start3A_594 = arith.constant 5 : i32
      %dma_start3A_595 = arith.constant 0 : i32
      %dma_start3A_596 = tpu.memref_slice %arg6[%dma_start3A_594, %dma_start3A_595] : memref<6x80xi32, #tpu.memory_space<vmem>> -> memref<1x80xi32, #tpu.memory_space<vmem>>
      %dma_start3A_597 = tpu.memref_squeeze %dma_start3A_596 : memref<1x80xi32, #tpu.memory_space<vmem>> -> memref<80xi32, #tpu.memory_space<vmem>>
      %dma_start3A_598 = arith.constant 0 : i32
      %dma_start3A_599 = arith.constant 0 : i32
      %dma_start3A_600 = tpu.memref_slice %arg2[%dma_start3A_598, %dma_start3A_599] : memref<10000x128xf32, #tpu.memory_space<hbm>> -> memref<10000x128xf32, #tpu.memory_space<hbm>>
      tpu.enqueue_indirect_dma source(%dma_start3A_600 : memref<10000x128xf32, #tpu.memory_space<hbm>>) target(%arg10 : memref<80x128xf32, #tpu.memory_space<vmem>>) offsets(%dma_start3A_597 : memref<80xi32, #tpu.memory_space<vmem>>) semaphore(%arg13 : memref<!tpu.dma_semaphore, #tpu.memory_space<semaphore_mem>>)
      %add3A_601 = arith.constant 4 : i32
      %add3A_602 = arith.addi %add3A_560, %add3A_601 : i32
      %convert_element_type3A_603 = arith.extui %lt3A_564 : i1 to i32
      %cond3A_604 = arith.constant 0 : i32
      %cond3A_605 = arith.cmpi ne, %convert_element_type3A_603, %cond3A_604 : i32
      scf.if %cond3A_605 {
        %add3A_804 = arith.addi %add3A_4, %add3A_602 : i32
        %mul3A_805 = arith.constant 80 : i32
        %mul3A_806 = arith.muli %add3A_804, %mul3A_805 : i32
        %multiple_of3A_807 = tpu.assume_multiple %mul3A_806, 80 : i32
        %dma_start3A_808 = arith.constant 2 : i32
        %dma_start3A_809 = arith.constant 0 : i32
        %dma_start3A_810 = tpu.memref_slice %arg6[%dma_start3A_808, %dma_start3A_809] : memref<6x80xi32, #tpu.memory_space<vmem>> -> memref<1x80xi32, #tpu.memory_space<vmem>>
        %dma_start3A_811 = tpu.memref_squeeze %dma_start3A_810 : memref<1x80xi32, #tpu.memory_space<vmem>> -> memref<80xi32, #tpu.memory_space<vmem>>
        %dma_start3A_812 = tpu.memref_slice %arg3[%multiple_of3A_807] : memref<640000xi32, #tpu.memory_space<hbm>> -> memref<80xi32, #tpu.memory_space<hbm>>
        %dma_start3A_813 = arith.constant 0 : i32
        %dma_start3A_814 = tpu.memref_slice %arg6[%dma_start3A_808, %dma_start3A_813] : memref<6x80xi32, #tpu.memory_space<vmem>> -> memref<1x80xi32, #tpu.memory_space<vmem>>
        %dma_start3A_815 = tpu.memref_squeeze %dma_start3A_814 : memref<1x80xi32, #tpu.memory_space<vmem>> -> memref<80xi32, #tpu.memory_space<vmem>>
        %dma_start3A_816 = tpu.memref_slice %arg3[%multiple_of3A_807] : memref<640000xi32, #tpu.memory_space<hbm>> -> memref<80xi32, #tpu.memory_space<hbm>>
        tpu.enqueue_dma source(%dma_start3A_816 : memref<80xi32, #tpu.memory_space<hbm>>) target(%dma_start3A_815 : memref<80xi32, #tpu.memory_space<vmem>>) target_semaphore(%arg19 : memref<!tpu.dma_semaphore, #tpu.memory_space<semaphore_mem>>)
        %add3A_817 = arith.constant 320000 : i32
        %add3A_818 = arith.addi %add3A_817, %multiple_of3A_807 : i32
        %dma_start3A_819 = arith.constant 2 : i32
        %dma_start3A_820 = arith.constant 0 : i32
        %dma_start3A_821 = tpu.memref_slice %arg7[%dma_start3A_819, %dma_start3A_820] : memref<6x80xi32, #tpu.memory_space<vmem>> -> memref<1x80xi32, #tpu.memory_space<vmem>>
        %dma_start3A_822 = tpu.memref_squeeze %dma_start3A_821 : memref<1x80xi32, #tpu.memory_space<vmem>> -> memref<80xi32, #tpu.memory_space<vmem>>
        %dma_start3A_823 = tpu.memref_slice %arg3[%add3A_818] : memref<640000xi32, #tpu.memory_space<hbm>> -> memref<80xi32, #tpu.memory_space<hbm>>
        %dma_start3A_824 = arith.constant 0 : i32
        %dma_start3A_825 = tpu.memref_slice %arg7[%dma_start3A_819, %dma_start3A_824] : memref<6x80xi32, #tpu.memory_space<vmem>> -> memref<1x80xi32, #tpu.memory_space<vmem>>
        %dma_start3A_826 = tpu.memref_squeeze %dma_start3A_825 : memref<1x80xi32, #tpu.memory_space<vmem>> -> memref<80xi32, #tpu.memory_space<vmem>>
        %dma_start3A_827 = tpu.memref_slice %arg3[%add3A_818] : memref<640000xi32, #tpu.memory_space<hbm>> -> memref<80xi32, #tpu.memory_space<hbm>>
        tpu.enqueue_dma source(%dma_start3A_827 : memref<80xi32, #tpu.memory_space<hbm>>) target(%dma_start3A_826 : memref<80xi32, #tpu.memory_space<vmem>>) target_semaphore(%arg19 : memref<!tpu.dma_semaphore, #tpu.memory_space<semaphore_mem>>)
      } else {
      }
      %dma_wait3A_606 = arith.constant 4 : i32
      %dma_wait3A_607 = arith.constant 0 : i32
      %dma_wait3A_608 = tpu.memref_slice %arg6[%dma_wait3A_606, %dma_wait3A_607] : memref<6x80xi32, #tpu.memory_space<vmem>> -> memref<1x80xi32, #tpu.memory_space<vmem>>
      %dma_wait3A_609 = tpu.memref_squeeze %dma_wait3A_608 : memref<1x80xi32, #tpu.memory_space<vmem>> -> memref<80xi32, #tpu.memory_space<vmem>>
      %dma_wait3A_610 = arith.constant 0 : i32
      %dma_wait3A_611 = arith.constant 0 : i32
      %dma_wait3A_612 = tpu.memref_slice %arg2[%dma_wait3A_610, %dma_wait3A_611] : memref<10000x128xf32, #tpu.memory_space<hbm>> -> memref<10000x128xf32, #tpu.memory_space<hbm>>
      tpu.wait_indirect_dma semaphore(%arg12 : memref<!tpu.dma_semaphore, #tpu.memory_space<semaphore_mem>>) src(%dma_wait3A_612 : memref<10000x128xf32, #tpu.memory_space<hbm>>) dst(%arg9 : memref<80x128xf32, #tpu.memory_space<vmem>>)
      %dma_start3A_613 = arith.constant 4 : i32
      %dma_start3A_614 = arith.constant 0 : i32
      %dma_start3A_615 = tpu.memref_slice %arg7[%dma_start3A_613, %dma_start3A_614] : memref<6x80xi32, #tpu.memory_space<vmem>> -> memref<1x80xi32, #tpu.memory_space<vmem>>
      %dma_start3A_616 = tpu.memref_squeeze %dma_start3A_615 : memref<1x80xi32, #tpu.memory_space<vmem>> -> memref<80xi32, #tpu.memory_space<vmem>>
      %dma_start3A_617 = arith.constant 0 : i32
      %dma_start3A_618 = arith.constant 0 : i32
      %dma_start3A_619 = tpu.memref_slice %arg5[%dma_start3A_617, %dma_start3A_618] : memref<10240x128xf32, #tpu.memory_space<vmem_shared>> -> memref<10240x128xf32, #tpu.memory_space<vmem_shared>>
      tpu.enqueue_indirect_dma source(%arg9 : memref<80x128xf32, #tpu.memory_space<vmem>>) target(%dma_start3A_619 : memref<10240x128xf32, #tpu.memory_space<vmem_shared>>) offsets(%dma_start3A_616 : memref<80xi32, #tpu.memory_space<vmem>>) semaphore(%arg15 : memref<!tpu.dma_semaphore, #tpu.memory_space<semaphore_mem>>) {add = true}
      %add3A_620 = arith.constant 3 : i32
      %add3A_621 = arith.addi %add3A_439, %add3A_620 : i32
      %add3A_622 = arith.constant 4 : i32
      %add3A_623 = arith.addi %add3A_621, %add3A_622 : i32
      %lt3A_624 = arith.constant 125 : i32
      %lt3A_625 = arith.cmpi slt, %add3A_623, %lt3A_624 : i32
      %dma_wait3A_626 = arith.constant 3 : i32
      %dma_wait3A_627 = arith.constant 0 : i32
      %dma_wait3A_628 = tpu.memref_slice %arg7[%dma_wait3A_626, %dma_wait3A_627] : memref<6x80xi32, #tpu.memory_space<vmem>> -> memref<1x80xi32, #tpu.memory_space<vmem>>
      %dma_wait3A_629 = tpu.memref_squeeze %dma_wait3A_628 : memref<1x80xi32, #tpu.memory_space<vmem>> -> memref<80xi32, #tpu.memory_space<vmem>>
      %dma_wait3A_630 = arith.constant 0 : i32
      %dma_wait3A_631 = arith.constant 0 : i32
      %dma_wait3A_632 = tpu.memref_slice %arg5[%dma_wait3A_630, %dma_wait3A_631] : memref<10240x128xf32, #tpu.memory_space<vmem_shared>> -> memref<10240x128xf32, #tpu.memory_space<vmem_shared>>
      tpu.wait_indirect_dma semaphore(%arg14 : memref<!tpu.dma_semaphore, #tpu.memory_space<semaphore_mem>>) src(%arg8 : memref<80x128xf32, #tpu.memory_space<vmem>>) dst(%dma_wait3A_632 : memref<10240x128xf32, #tpu.memory_space<vmem_shared>>)
      %dma_wait3A_633 = arith.constant 0 : i32
      %dma_wait3A_634 = arith.constant 0 : i32
      %dma_wait3A_635 = tpu.memref_slice %arg6[%dma_wait3A_633, %dma_wait3A_634] : memref<6x80xi32, #tpu.memory_space<vmem>> -> memref<1x80xi32, #tpu.memory_space<vmem>>
      %dma_wait3A_636 = tpu.memref_squeeze %dma_wait3A_635 : memref<1x80xi32, #tpu.memory_space<vmem>> -> memref<80xi32, #tpu.memory_space<vmem>>
      %dma_wait3A_637 = arith.constant 0 : i32
      %dma_wait3A_638 = tpu.memref_slice %arg3[%dma_wait3A_637] : memref<640000xi32, #tpu.memory_space<hbm>> -> memref<80xi32, #tpu.memory_space<hbm>>
      %dma_wait3A_639 = arith.constant 0 : i32
      %dma_wait3A_640 = tpu.memref_slice %arg6[%dma_wait3A_633, %dma_wait3A_639] : memref<6x80xi32, #tpu.memory_space<vmem>> -> memref<1x80xi32, #tpu.memory_space<vmem>>
      %dma_wait3A_641 = tpu.memref_squeeze %dma_wait3A_640 : memref<1x80xi32, #tpu.memory_space<vmem>> -> memref<80xi32, #tpu.memory_space<vmem>>
      %dma_wait3A_642 = arith.constant 0 : i32
      %dma_wait3A_643 = tpu.memref_slice %arg3[%dma_wait3A_642] : memref<640000xi32, #tpu.memory_space<hbm>> -> memref<80xi32, #tpu.memory_space<hbm>>
      tpu.wait_dma2 semaphore(%arg17 : memref<!tpu.dma_semaphore, #tpu.memory_space<semaphore_mem>>) src(%dma_wait3A_643 : memref<80xi32, #tpu.memory_space<hbm>>) dst(%dma_wait3A_641 : memref<80xi32, #tpu.memory_space<vmem>>)
      %dma_wait3A_644 = arith.constant 0 : i32
      %dma_wait3A_645 = arith.constant 0 : i32
      %dma_wait3A_646 = tpu.memref_slice %arg7[%dma_wait3A_644, %dma_wait3A_645] : memref<6x80xi32, #tpu.memory_space<vmem>> -> memref<1x80xi32, #tpu.memory_space<vmem>>
      %dma_wait3A_647 = tpu.memref_squeeze %dma_wait3A_646 : memref<1x80xi32, #tpu.memory_space<vmem>> -> memref<80xi32, #tpu.memory_space<vmem>>
      %dma_wait3A_648 = arith.constant 0 : i32
      %dma_wait3A_649 = tpu.memref_slice %arg3[%dma_wait3A_648] : memref<640000xi32, #tpu.memory_space<hbm>> -> memref<80xi32, #tpu.memory_space<hbm>>
      %dma_wait3A_650 = arith.constant 0 : i32
      %dma_wait3A_651 = tpu.memref_slice %arg7[%dma_wait3A_644, %dma_wait3A_650] : memref<6x80xi32, #tpu.memory_space<vmem>> -> memref<1x80xi32, #tpu.memory_space<vmem>>
      %dma_wait3A_652 = tpu.memref_squeeze %dma_wait3A_651 : memref<1x80xi32, #tpu.memory_space<vmem>> -> memref<80xi32, #tpu.memory_space<vmem>>
      %dma_wait3A_653 = arith.constant 0 : i32
      %dma_wait3A_654 = tpu.memref_slice %arg3[%dma_wait3A_653] : memref<640000xi32, #tpu.memory_space<hbm>> -> memref<80xi32, #tpu.memory_space<hbm>>
      tpu.wait_dma2 semaphore(%arg17 : memref<!tpu.dma_semaphore, #tpu.memory_space<semaphore_mem>>) src(%dma_wait3A_654 : memref<80xi32, #tpu.memory_space<hbm>>) dst(%dma_wait3A_652 : memref<80xi32, #tpu.memory_space<vmem>>)
      %dma_start3A_655 = arith.constant 0 : i32
      %dma_start3A_656 = arith.constant 0 : i32
      %dma_start3A_657 = tpu.memref_slice %arg6[%dma_start3A_655, %dma_start3A_656] : memref<6x80xi32, #tpu.memory_space<vmem>> -> memref<1x80xi32, #tpu.memory_space<vmem>>
      %dma_start3A_658 = tpu.memref_squeeze %dma_start3A_657 : memref<1x80xi32, #tpu.memory_space<vmem>> -> memref<80xi32, #tpu.memory_space<vmem>>
      %dma_start3A_659 = arith.constant 0 : i32
      %dma_start3A_660 = arith.constant 0 : i32
      %dma_start3A_661 = tpu.memref_slice %arg2[%dma_start3A_659, %dma_start3A_660] : memref<10000x128xf32, #tpu.memory_space<hbm>> -> memref<10000x128xf32, #tpu.memory_space<hbm>>
      tpu.enqueue_indirect_dma source(%dma_start3A_661 : memref<10000x128xf32, #tpu.memory_space<hbm>>) target(%arg8 : memref<80x128xf32, #tpu.memory_space<vmem>>) offsets(%dma_start3A_658 : memref<80xi32, #tpu.memory_space<vmem>>) semaphore(%arg11 : memref<!tpu.dma_semaphore, #tpu.memory_space<semaphore_mem>>)
      %add3A_662 = arith.constant 4 : i32
      %add3A_663 = arith.addi %add3A_621, %add3A_662 : i32
      %convert_element_type3A_664 = arith.extui %lt3A_625 : i1 to i32
      %cond3A_665 = arith.constant 0 : i32
      %cond3A_666 = arith.cmpi ne, %convert_element_type3A_664, %cond3A_665 : i32
      scf.if %cond3A_666 {
        %add3A_804 = arith.addi %add3A_4, %add3A_663 : i32
        %mul3A_805 = arith.constant 80 : i32
        %mul3A_806 = arith.muli %add3A_804, %mul3A_805 : i32
        %multiple_of3A_807 = tpu.assume_multiple %mul3A_806, 80 : i32
        %dma_start3A_808 = arith.constant 3 : i32
        %dma_start3A_809 = arith.constant 0 : i32
        %dma_start3A_810 = tpu.memref_slice %arg6[%dma_start3A_808, %dma_start3A_809] : memref<6x80xi32, #tpu.memory_space<vmem>> -> memref<1x80xi32, #tpu.memory_space<vmem>>
        %dma_start3A_811 = tpu.memref_squeeze %dma_start3A_810 : memref<1x80xi32, #tpu.memory_space<vmem>> -> memref<80xi32, #tpu.memory_space<vmem>>
        %dma_start3A_812 = tpu.memref_slice %arg3[%multiple_of3A_807] : memref<640000xi32, #tpu.memory_space<hbm>> -> memref<80xi32, #tpu.memory_space<hbm>>
        %dma_start3A_813 = arith.constant 0 : i32
        %dma_start3A_814 = tpu.memref_slice %arg6[%dma_start3A_808, %dma_start3A_813] : memref<6x80xi32, #tpu.memory_space<vmem>> -> memref<1x80xi32, #tpu.memory_space<vmem>>
        %dma_start3A_815 = tpu.memref_squeeze %dma_start3A_814 : memref<1x80xi32, #tpu.memory_space<vmem>> -> memref<80xi32, #tpu.memory_space<vmem>>
        %dma_start3A_816 = tpu.memref_slice %arg3[%multiple_of3A_807] : memref<640000xi32, #tpu.memory_space<hbm>> -> memref<80xi32, #tpu.memory_space<hbm>>
        tpu.enqueue_dma source(%dma_start3A_816 : memref<80xi32, #tpu.memory_space<hbm>>) target(%dma_start3A_815 : memref<80xi32, #tpu.memory_space<vmem>>) target_semaphore(%arg20 : memref<!tpu.dma_semaphore, #tpu.memory_space<semaphore_mem>>)
        %add3A_817 = arith.constant 320000 : i32
        %add3A_818 = arith.addi %add3A_817, %multiple_of3A_807 : i32
        %dma_start3A_819 = arith.constant 3 : i32
        %dma_start3A_820 = arith.constant 0 : i32
        %dma_start3A_821 = tpu.memref_slice %arg7[%dma_start3A_819, %dma_start3A_820] : memref<6x80xi32, #tpu.memory_space<vmem>> -> memref<1x80xi32, #tpu.memory_space<vmem>>
        %dma_start3A_822 = tpu.memref_squeeze %dma_start3A_821 : memref<1x80xi32, #tpu.memory_space<vmem>> -> memref<80xi32, #tpu.memory_space<vmem>>
        %dma_start3A_823 = tpu.memref_slice %arg3[%add3A_818] : memref<640000xi32, #tpu.memory_space<hbm>> -> memref<80xi32, #tpu.memory_space<hbm>>
        %dma_start3A_824 = arith.constant 0 : i32
        %dma_start3A_825 = tpu.memref_slice %arg7[%dma_start3A_819, %dma_start3A_824] : memref<6x80xi32, #tpu.memory_space<vmem>> -> memref<1x80xi32, #tpu.memory_space<vmem>>
        %dma_start3A_826 = tpu.memref_squeeze %dma_start3A_825 : memref<1x80xi32, #tpu.memory_space<vmem>> -> memref<80xi32, #tpu.memory_space<vmem>>
        %dma_start3A_827 = tpu.memref_slice %arg3[%add3A_818] : memref<640000xi32, #tpu.memory_space<hbm>> -> memref<80xi32, #tpu.memory_space<hbm>>
        tpu.enqueue_dma source(%dma_start3A_827 : memref<80xi32, #tpu.memory_space<hbm>>) target(%dma_start3A_826 : memref<80xi32, #tpu.memory_space<vmem>>) target_semaphore(%arg20 : memref<!tpu.dma_semaphore, #tpu.memory_space<semaphore_mem>>)
      } else {
      }
      %dma_wait3A_667 = arith.constant 5 : i32
      %dma_wait3A_668 = arith.constant 0 : i32
      %dma_wait3A_669 = tpu.memref_slice %arg6[%dma_wait3A_667, %dma_wait3A_668] : memref<6x80xi32, #tpu.memory_space<vmem>> -> memref<1x80xi32, #tpu.memory_space<vmem>>
      %dma_wait3A_670 = tpu.memref_squeeze %dma_wait3A_669 : memref<1x80xi32, #tpu.memory_space<vmem>> -> memref<80xi32, #tpu.memory_space<vmem>>
      %dma_wait3A_671 = arith.constant 0 : i32
      %dma_wait3A_672 = arith.constant 0 : i32
      %dma_wait3A_673 = tpu.memref_slice %arg2[%dma_wait3A_671, %dma_wait3A_672] : memref<10000x128xf32, #tpu.memory_space<hbm>> -> memref<10000x128xf32, #tpu.memory_space<hbm>>
      tpu.wait_indirect_dma semaphore(%arg13 : memref<!tpu.dma_semaphore, #tpu.memory_space<semaphore_mem>>) src(%dma_wait3A_673 : memref<10000x128xf32, #tpu.memory_space<hbm>>) dst(%arg10 : memref<80x128xf32, #tpu.memory_space<vmem>>)
      %dma_start3A_674 = arith.constant 5 : i32
      %dma_start3A_675 = arith.constant 0 : i32
      %dma_start3A_676 = tpu.memref_slice %arg7[%dma_start3A_674, %dma_start3A_675] : memref<6x80xi32, #tpu.memory_space<vmem>> -> memref<1x80xi32, #tpu.memory_space<vmem>>
      %dma_start3A_677 = tpu.memref_squeeze %dma_start3A_676 : memref<1x80xi32, #tpu.memory_space<vmem>> -> memref<80xi32, #tpu.memory_space<vmem>>
      %dma_start3A_678 = arith.constant 0 : i32
      %dma_start3A_679 = arith.constant 0 : i32
      %dma_start3A_680 = tpu.memref_slice %arg5[%dma_start3A_678, %dma_start3A_679] : memref<10240x128xf32, #tpu.memory_space<vmem_shared>> -> memref<10240x128xf32, #tpu.memory_space<vmem_shared>>
      tpu.enqueue_indirect_dma source(%arg10 : memref<80x128xf32, #tpu.memory_space<vmem>>) target(%dma_start3A_680 : memref<10240x128xf32, #tpu.memory_space<vmem_shared>>) offsets(%dma_start3A_677 : memref<80xi32, #tpu.memory_space<vmem>>) semaphore(%arg16 : memref<!tpu.dma_semaphore, #tpu.memory_space<semaphore_mem>>) {add = true}
      %add3A_681 = arith.constant 4 : i32
      %add3A_682 = arith.addi %add3A_439, %add3A_681 : i32
      %add3A_683 = arith.constant 4 : i32
      %add3A_684 = arith.addi %add3A_682, %add3A_683 : i32
      %lt3A_685 = arith.constant 125 : i32
      %lt3A_686 = arith.cmpi slt, %add3A_684, %lt3A_685 : i32
      %dma_wait3A_687 = arith.constant 4 : i32
      %dma_wait3A_688 = arith.constant 0 : i32
      %dma_wait3A_689 = tpu.memref_slice %arg7[%dma_wait3A_687, %dma_wait3A_688] : memref<6x80xi32, #tpu.memory_space<vmem>> -> memref<1x80xi32, #tpu.memory_space<vmem>>
      %dma_wait3A_690 = tpu.memref_squeeze %dma_wait3A_689 : memref<1x80xi32, #tpu.memory_space<vmem>> -> memref<80xi32, #tpu.memory_space<vmem>>
      %dma_wait3A_691 = arith.constant 0 : i32
      %dma_wait3A_692 = arith.constant 0 : i32
      %dma_wait3A_693 = tpu.memref_slice %arg5[%dma_wait3A_691, %dma_wait3A_692] : memref<10240x128xf32, #tpu.memory_space<vmem_shared>> -> memref<10240x128xf32, #tpu.memory_space<vmem_shared>>
      tpu.wait_indirect_dma semaphore(%arg15 : memref<!tpu.dma_semaphore, #tpu.memory_space<semaphore_mem>>) src(%arg9 : memref<80x128xf32, #tpu.memory_space<vmem>>) dst(%dma_wait3A_693 : memref<10240x128xf32, #tpu.memory_space<vmem_shared>>)
      %dma_wait3A_694 = arith.constant 1 : i32
      %dma_wait3A_695 = arith.constant 0 : i32
      %dma_wait3A_696 = tpu.memref_slice %arg6[%dma_wait3A_694, %dma_wait3A_695] : memref<6x80xi32, #tpu.memory_space<vmem>> -> memref<1x80xi32, #tpu.memory_space<vmem>>
      %dma_wait3A_697 = tpu.memref_squeeze %dma_wait3A_696 : memref<1x80xi32, #tpu.memory_space<vmem>> -> memref<80xi32, #tpu.memory_space<vmem>>
      %dma_wait3A_698 = arith.constant 0 : i32
      %dma_wait3A_699 = tpu.memref_slice %arg3[%dma_wait3A_698] : memref<640000xi32, #tpu.memory_space<hbm>> -> memref<80xi32, #tpu.memory_space<hbm>>
      %dma_wait3A_700 = arith.constant 0 : i32
      %dma_wait3A_701 = tpu.memref_slice %arg6[%dma_wait3A_694, %dma_wait3A_700] : memref<6x80xi32, #tpu.memory_space<vmem>> -> memref<1x80xi32, #tpu.memory_space<vmem>>
      %dma_wait3A_702 = tpu.memref_squeeze %dma_wait3A_701 : memref<1x80xi32, #tpu.memory_space<vmem>> -> memref<80xi32, #tpu.memory_space<vmem>>
      %dma_wait3A_703 = arith.constant 0 : i32
      %dma_wait3A_704 = tpu.memref_slice %arg3[%dma_wait3A_703] : memref<640000xi32, #tpu.memory_space<hbm>> -> memref<80xi32, #tpu.memory_space<hbm>>
      tpu.wait_dma2 semaphore(%arg18 : memref<!tpu.dma_semaphore, #tpu.memory_space<semaphore_mem>>) src(%dma_wait3A_704 : memref<80xi32, #tpu.memory_space<hbm>>) dst(%dma_wait3A_702 : memref<80xi32, #tpu.memory_space<vmem>>)
      %dma_wait3A_705 = arith.constant 1 : i32
      %dma_wait3A_706 = arith.constant 0 : i32
      %dma_wait3A_707 = tpu.memref_slice %arg7[%dma_wait3A_705, %dma_wait3A_706] : memref<6x80xi32, #tpu.memory_space<vmem>> -> memref<1x80xi32, #tpu.memory_space<vmem>>
      %dma_wait3A_708 = tpu.memref_squeeze %dma_wait3A_707 : memref<1x80xi32, #tpu.memory_space<vmem>> -> memref<80xi32, #tpu.memory_space<vmem>>
      %dma_wait3A_709 = arith.constant 0 : i32
      %dma_wait3A_710 = tpu.memref_slice %arg3[%dma_wait3A_709] : memref<640000xi32, #tpu.memory_space<hbm>> -> memref<80xi32, #tpu.memory_space<hbm>>
      %dma_wait3A_711 = arith.constant 0 : i32
      %dma_wait3A_712 = tpu.memref_slice %arg7[%dma_wait3A_705, %dma_wait3A_711] : memref<6x80xi32, #tpu.memory_space<vmem>> -> memref<1x80xi32, #tpu.memory_space<vmem>>
      %dma_wait3A_713 = tpu.memref_squeeze %dma_wait3A_712 : memref<1x80xi32, #tpu.memory_space<vmem>> -> memref<80xi32, #tpu.memory_space<vmem>>
      %dma_wait3A_714 = arith.constant 0 : i32
      %dma_wait3A_715 = tpu.memref_slice %arg3[%dma_wait3A_714] : memref<640000xi32, #tpu.memory_space<hbm>> -> memref<80xi32, #tpu.memory_space<hbm>>
      tpu.wait_dma2 semaphore(%arg18 : memref<!tpu.dma_semaphore, #tpu.memory_space<semaphore_mem>>) src(%dma_wait3A_715 : memref<80xi32, #tpu.memory_space<hbm>>) dst(%dma_wait3A_713 : memref<80xi32, #tpu.memory_space<vmem>>)
      %dma_start3A_716 = arith.constant 1 : i32
      %dma_start3A_717 = arith.constant 0 : i32
      %dma_start3A_718 = tpu.memref_slice %arg6[%dma_start3A_716, %dma_start3A_717] : memref<6x80xi32, #tpu.memory_space<vmem>> -> memref<1x80xi32, #tpu.memory_space<vmem>>
      %dma_start3A_719 = tpu.memref_squeeze %dma_start3A_718 : memref<1x80xi32, #tpu.memory_space<vmem>> -> memref<80xi32, #tpu.memory_space<vmem>>
      %dma_start3A_720 = arith.constant 0 : i32
      %dma_start3A_721 = arith.constant 0 : i32
      %dma_start3A_722 = tpu.memref_slice %arg2[%dma_start3A_720, %dma_start3A_721] : memref<10000x128xf32, #tpu.memory_space<hbm>> -> memref<10000x128xf32, #tpu.memory_space<hbm>>
      tpu.enqueue_indirect_dma source(%dma_start3A_722 : memref<10000x128xf32, #tpu.memory_space<hbm>>) target(%arg9 : memref<80x128xf32, #tpu.memory_space<vmem>>) offsets(%dma_start3A_719 : memref<80xi32, #tpu.memory_space<vmem>>) semaphore(%arg12 : memref<!tpu.dma_semaphore, #tpu.memory_space<semaphore_mem>>)
      %add3A_723 = arith.constant 4 : i32
      %add3A_724 = arith.addi %add3A_682, %add3A_723 : i32
      %convert_element_type3A_725 = arith.extui %lt3A_686 : i1 to i32
      %cond3A_726 = arith.constant 0 : i32
      %cond3A_727 = arith.cmpi ne, %convert_element_type3A_725, %cond3A_726 : i32
      scf.if %cond3A_727 {
        %add3A_804 = arith.addi %add3A_4, %add3A_724 : i32
        %mul3A_805 = arith.constant 80 : i32
        %mul3A_806 = arith.muli %add3A_804, %mul3A_805 : i32
        %multiple_of3A_807 = tpu.assume_multiple %mul3A_806, 80 : i32
        %dma_start3A_808 = arith.constant 4 : i32
        %dma_start3A_809 = arith.constant 0 : i32
        %dma_start3A_810 = tpu.memref_slice %arg6[%dma_start3A_808, %dma_start3A_809] : memref<6x80xi32, #tpu.memory_space<vmem>> -> memref<1x80xi32, #tpu.memory_space<vmem>>
        %dma_start3A_811 = tpu.memref_squeeze %dma_start3A_810 : memref<1x80xi32, #tpu.memory_space<vmem>> -> memref<80xi32, #tpu.memory_space<vmem>>
        %dma_start3A_812 = tpu.memref_slice %arg3[%multiple_of3A_807] : memref<640000xi32, #tpu.memory_space<hbm>> -> memref<80xi32, #tpu.memory_space<hbm>>
        %dma_start3A_813 = arith.constant 0 : i32
        %dma_start3A_814 = tpu.memref_slice %arg6[%dma_start3A_808, %dma_start3A_813] : memref<6x80xi32, #tpu.memory_space<vmem>> -> memref<1x80xi32, #tpu.memory_space<vmem>>
        %dma_start3A_815 = tpu.memref_squeeze %dma_start3A_814 : memref<1x80xi32, #tpu.memory_space<vmem>> -> memref<80xi32, #tpu.memory_space<vmem>>
        %dma_start3A_816 = tpu.memref_slice %arg3[%multiple_of3A_807] : memref<640000xi32, #tpu.memory_space<hbm>> -> memref<80xi32, #tpu.memory_space<hbm>>
        tpu.enqueue_dma source(%dma_start3A_816 : memref<80xi32, #tpu.memory_space<hbm>>) target(%dma_start3A_815 : memref<80xi32, #tpu.memory_space<vmem>>) target_semaphore(%arg21 : memref<!tpu.dma_semaphore, #tpu.memory_space<semaphore_mem>>)
        %add3A_817 = arith.constant 320000 : i32
        %add3A_818 = arith.addi %add3A_817, %multiple_of3A_807 : i32
        %dma_start3A_819 = arith.constant 4 : i32
        %dma_start3A_820 = arith.constant 0 : i32
        %dma_start3A_821 = tpu.memref_slice %arg7[%dma_start3A_819, %dma_start3A_820] : memref<6x80xi32, #tpu.memory_space<vmem>> -> memref<1x80xi32, #tpu.memory_space<vmem>>
        %dma_start3A_822 = tpu.memref_squeeze %dma_start3A_821 : memref<1x80xi32, #tpu.memory_space<vmem>> -> memref<80xi32, #tpu.memory_space<vmem>>
        %dma_start3A_823 = tpu.memref_slice %arg3[%add3A_818] : memref<640000xi32, #tpu.memory_space<hbm>> -> memref<80xi32, #tpu.memory_space<hbm>>
        %dma_start3A_824 = arith.constant 0 : i32
        %dma_start3A_825 = tpu.memref_slice %arg7[%dma_start3A_819, %dma_start3A_824] : memref<6x80xi32, #tpu.memory_space<vmem>> -> memref<1x80xi32, #tpu.memory_space<vmem>>
        %dma_start3A_826 = tpu.memref_squeeze %dma_start3A_825 : memref<1x80xi32, #tpu.memory_space<vmem>> -> memref<80xi32, #tpu.memory_space<vmem>>
        %dma_start3A_827 = tpu.memref_slice %arg3[%add3A_818] : memref<640000xi32, #tpu.memory_space<hbm>> -> memref<80xi32, #tpu.memory_space<hbm>>
        tpu.enqueue_dma source(%dma_start3A_827 : memref<80xi32, #tpu.memory_space<hbm>>) target(%dma_start3A_826 : memref<80xi32, #tpu.memory_space<vmem>>) target_semaphore(%arg21 : memref<!tpu.dma_semaphore, #tpu.memory_space<semaphore_mem>>)
      } else {
      }
      %dma_wait3A_728 = arith.constant 0 : i32
      %dma_wait3A_729 = arith.constant 0 : i32
      %dma_wait3A_730 = tpu.memref_slice %arg6[%dma_wait3A_728, %dma_wait3A_729] : memref<6x80xi32, #tpu.memory_space<vmem>> -> memref<1x80xi32, #tpu.memory_space<vmem>>
      %dma_wait3A_731 = tpu.memref_squeeze %dma_wait3A_730 : memref<1x80xi32, #tpu.memory_space<vmem>> -> memref<80xi32, #tpu.memory_space<vmem>>
      %dma_wait3A_732 = arith.constant 0 : i32
      %dma_wait3A_733 = arith.constant 0 : i32
      %dma_wait3A_734 = tpu.memref_slice %arg2[%dma_wait3A_732, %dma_wait3A_733] : memref<10000x128xf32, #tpu.memory_space<hbm>> -> memref<10000x128xf32, #tpu.memory_space<hbm>>
      tpu.wait_indirect_dma semaphore(%arg11 : memref<!tpu.dma_semaphore, #tpu.memory_space<semaphore_mem>>) src(%dma_wait3A_734 : memref<10000x128xf32, #tpu.memory_space<hbm>>) dst(%arg8 : memref<80x128xf32, #tpu.memory_space<vmem>>)
      %dma_start3A_735 = arith.constant 0 : i32
      %dma_start3A_736 = arith.constant 0 : i32
      %dma_start3A_737 = tpu.memref_slice %arg7[%dma_start3A_735, %dma_start3A_736] : memref<6x80xi32, #tpu.memory_space<vmem>> -> memref<1x80xi32, #tpu.memory_space<vmem>>
      %dma_start3A_738 = tpu.memref_squeeze %dma_start3A_737 : memref<1x80xi32, #tpu.memory_space<vmem>> -> memref<80xi32, #tpu.memory_space<vmem>>
      %dma_start3A_739 = arith.constant 0 : i32
      %dma_start3A_740 = arith.constant 0 : i32
      %dma_start3A_741 = tpu.memref_slice %arg5[%dma_start3A_739, %dma_start3A_740] : memref<10240x128xf32, #tpu.memory_space<vmem_shared>> -> memref<10240x128xf32, #tpu.memory_space<vmem_shared>>
      tpu.enqueue_indirect_dma source(%arg8 : memref<80x128xf32, #tpu.memory_space<vmem>>) target(%dma_start3A_741 : memref<10240x128xf32, #tpu.memory_space<vmem_shared>>) offsets(%dma_start3A_738 : memref<80xi32, #tpu.memory_space<vmem>>) semaphore(%arg14 : memref<!tpu.dma_semaphore, #tpu.memory_space<semaphore_mem>>) {add = true}
      %add3A_742 = arith.constant 5 : i32
      %add3A_743 = arith.addi %add3A_439, %add3A_742 : i32
      %add3A_744 = arith.constant 4 : i32
      %add3A_745 = arith.addi %add3A_743, %add3A_744 : i32
      %lt3A_746 = arith.constant 125 : i32
      %lt3A_747 = arith.cmpi slt, %add3A_745, %lt3A_746 : i32
      %dma_wait3A_748 = arith.constant 5 : i32
      %dma_wait3A_749 = arith.constant 0 : i32
      %dma_wait3A_750 = tpu.memref_slice %arg7[%dma_wait3A_748, %dma_wait3A_749] : memref<6x80xi32, #tpu.memory_space<vmem>> -> memref<1x80xi32, #tpu.memory_space<vmem>>
      %dma_wait3A_751 = tpu.memref_squeeze %dma_wait3A_750 : memref<1x80xi32, #tpu.memory_space<vmem>> -> memref<80xi32, #tpu.memory_space<vmem>>
      %dma_wait3A_752 = arith.constant 0 : i32
      %dma_wait3A_753 = arith.constant 0 : i32
      %dma_wait3A_754 = tpu.memref_slice %arg5[%dma_wait3A_752, %dma_wait3A_753] : memref<10240x128xf32, #tpu.memory_space<vmem_shared>> -> memref<10240x128xf32, #tpu.memory_space<vmem_shared>>
      tpu.wait_indirect_dma semaphore(%arg16 : memref<!tpu.dma_semaphore, #tpu.memory_space<semaphore_mem>>) src(%arg10 : memref<80x128xf32, #tpu.memory_space<vmem>>) dst(%dma_wait3A_754 : memref<10240x128xf32, #tpu.memory_space<vmem_shared>>)
      %dma_wait3A_755 = arith.constant 2 : i32
      %dma_wait3A_756 = arith.constant 0 : i32
      %dma_wait3A_757 = tpu.memref_slice %arg6[%dma_wait3A_755, %dma_wait3A_756] : memref<6x80xi32, #tpu.memory_space<vmem>> -> memref<1x80xi32, #tpu.memory_space<vmem>>
      %dma_wait3A_758 = tpu.memref_squeeze %dma_wait3A_757 : memref<1x80xi32, #tpu.memory_space<vmem>> -> memref<80xi32, #tpu.memory_space<vmem>>
      %dma_wait3A_759 = arith.constant 0 : i32
      %dma_wait3A_760 = tpu.memref_slice %arg3[%dma_wait3A_759] : memref<640000xi32, #tpu.memory_space<hbm>> -> memref<80xi32, #tpu.memory_space<hbm>>
      %dma_wait3A_761 = arith.constant 0 : i32
      %dma_wait3A_762 = tpu.memref_slice %arg6[%dma_wait3A_755, %dma_wait3A_761] : memref<6x80xi32, #tpu.memory_space<vmem>> -> memref<1x80xi32, #tpu.memory_space<vmem>>
      %dma_wait3A_763 = tpu.memref_squeeze %dma_wait3A_762 : memref<1x80xi32, #tpu.memory_space<vmem>> -> memref<80xi32, #tpu.memory_space<vmem>>
      %dma_wait3A_764 = arith.constant 0 : i32
      %dma_wait3A_765 = tpu.memref_slice %arg3[%dma_wait3A_764] : memref<640000xi32, #tpu.memory_space<hbm>> -> memref<80xi32, #tpu.memory_space<hbm>>
      tpu.wait_dma2 semaphore(%arg19 : memref<!tpu.dma_semaphore, #tpu.memory_space<semaphore_mem>>) src(%dma_wait3A_765 : memref<80xi32, #tpu.memory_space<hbm>>) dst(%dma_wait3A_763 : memref<80xi32, #tpu.memory_space<vmem>>)
      %dma_wait3A_766 = arith.constant 2 : i32
      %dma_wait3A_767 = arith.constant 0 : i32
      %dma_wait3A_768 = tpu.memref_slice %arg7[%dma_wait3A_766, %dma_wait3A_767] : memref<6x80xi32, #tpu.memory_space<vmem>> -> memref<1x80xi32, #tpu.memory_space<vmem>>
      %dma_wait3A_769 = tpu.memref_squeeze %dma_wait3A_768 : memref<1x80xi32, #tpu.memory_space<vmem>> -> memref<80xi32, #tpu.memory_space<vmem>>
      %dma_wait3A_770 = arith.constant 0 : i32
      %dma_wait3A_771 = tpu.memref_slice %arg3[%dma_wait3A_770] : memref<640000xi32, #tpu.memory_space<hbm>> -> memref<80xi32, #tpu.memory_space<hbm>>
      %dma_wait3A_772 = arith.constant 0 : i32
      %dma_wait3A_773 = tpu.memref_slice %arg7[%dma_wait3A_766, %dma_wait3A_772] : memref<6x80xi32, #tpu.memory_space<vmem>> -> memref<1x80xi32, #tpu.memory_space<vmem>>
      %dma_wait3A_774 = tpu.memref_squeeze %dma_wait3A_773 : memref<1x80xi32, #tpu.memory_space<vmem>> -> memref<80xi32, #tpu.memory_space<vmem>>
      %dma_wait3A_775 = arith.constant 0 : i32
      %dma_wait3A_776 = tpu.memref_slice %arg3[%dma_wait3A_775] : memref<640000xi32, #tpu.memory_space<hbm>> -> memref<80xi32, #tpu.memory_space<hbm>>
      tpu.wait_dma2 semaphore(%arg19 : memref<!tpu.dma_semaphore, #tpu.memory_space<semaphore_mem>>) src(%dma_wait3A_776 : memref<80xi32, #tpu.memory_space<hbm>>) dst(%dma_wait3A_774 : memref<80xi32, #tpu.memory_space<vmem>>)
      %dma_start3A_777 = arith.constant 2 : i32
      %dma_start3A_778 = arith.constant 0 : i32
      %dma_start3A_779 = tpu.memref_slice %arg6[%dma_start3A_777, %dma_start3A_778] : memref<6x80xi32, #tpu.memory_space<vmem>> -> memref<1x80xi32, #tpu.memory_space<vmem>>
      %dma_start3A_780 = tpu.memref_squeeze %dma_start3A_779 : memref<1x80xi32, #tpu.memory_space<vmem>> -> memref<80xi32, #tpu.memory_space<vmem>>
      %dma_start3A_781 = arith.constant 0 : i32
      %dma_start3A_782 = arith.constant 0 : i32
      %dma_start3A_783 = tpu.memref_slice %arg2[%dma_start3A_781, %dma_start3A_782] : memref<10000x128xf32, #tpu.memory_space<hbm>> -> memref<10000x128xf32, #tpu.memory_space<hbm>>
      tpu.enqueue_indirect_dma source(%dma_start3A_783 : memref<10000x128xf32, #tpu.memory_space<hbm>>) target(%arg10 : memref<80x128xf32, #tpu.memory_space<vmem>>) offsets(%dma_start3A_780 : memref<80xi32, #tpu.memory_space<vmem>>) semaphore(%arg13 : memref<!tpu.dma_semaphore, #tpu.memory_space<semaphore_mem>>)
      %add3A_784 = arith.constant 4 : i32
      %add3A_785 = arith.addi %add3A_743, %add3A_784 : i32
      %convert_element_type3A_786 = arith.extui %lt3A_747 : i1 to i32
      %cond3A_787 = arith.constant 0 : i32
      %cond3A_788 = arith.cmpi ne, %convert_element_type3A_786, %cond3A_787 : i32
      scf.if %cond3A_788 {
        %add3A_804 = arith.addi %add3A_4, %add3A_785 : i32
        %mul3A_805 = arith.constant 80 : i32
        %mul3A_806 = arith.muli %add3A_804, %mul3A_805 : i32
        %multiple_of3A_807 = tpu.assume_multiple %mul3A_806, 80 : i32
        %dma_start3A_808 = arith.constant 5 : i32
        %dma_start3A_809 = arith.constant 0 : i32
        %dma_start3A_810 = tpu.memref_slice %arg6[%dma_start3A_808, %dma_start3A_809] : memref<6x80xi32, #tpu.memory_space<vmem>> -> memref<1x80xi32, #tpu.memory_space<vmem>>
        %dma_start3A_811 = tpu.memref_squeeze %dma_start3A_810 : memref<1x80xi32, #tpu.memory_space<vmem>> -> memref<80xi32, #tpu.memory_space<vmem>>
        %dma_start3A_812 = tpu.memref_slice %arg3[%multiple_of3A_807] : memref<640000xi32, #tpu.memory_space<hbm>> -> memref<80xi32, #tpu.memory_space<hbm>>
        %dma_start3A_813 = arith.constant 0 : i32
        %dma_start3A_814 = tpu.memref_slice %arg6[%dma_start3A_808, %dma_start3A_813] : memref<6x80xi32, #tpu.memory_space<vmem>> -> memref<1x80xi32, #tpu.memory_space<vmem>>
        %dma_start3A_815 = tpu.memref_squeeze %dma_start3A_814 : memref<1x80xi32, #tpu.memory_space<vmem>> -> memref<80xi32, #tpu.memory_space<vmem>>
        %dma_start3A_816 = tpu.memref_slice %arg3[%multiple_of3A_807] : memref<640000xi32, #tpu.memory_space<hbm>> -> memref<80xi32, #tpu.memory_space<hbm>>
        tpu.enqueue_dma source(%dma_start3A_816 : memref<80xi32, #tpu.memory_space<hbm>>) target(%dma_start3A_815 : memref<80xi32, #tpu.memory_space<vmem>>) target_semaphore(%arg22 : memref<!tpu.dma_semaphore, #tpu.memory_space<semaphore_mem>>)
        %add3A_817 = arith.constant 320000 : i32
        %add3A_818 = arith.addi %add3A_817, %multiple_of3A_807 : i32
        %dma_start3A_819 = arith.constant 5 : i32
        %dma_start3A_820 = arith.constant 0 : i32
        %dma_start3A_821 = tpu.memref_slice %arg7[%dma_start3A_819, %dma_start3A_820] : memref<6x80xi32, #tpu.memory_space<vmem>> -> memref<1x80xi32, #tpu.memory_space<vmem>>
        %dma_start3A_822 = tpu.memref_squeeze %dma_start3A_821 : memref<1x80xi32, #tpu.memory_space<vmem>> -> memref<80xi32, #tpu.memory_space<vmem>>
        %dma_start3A_823 = tpu.memref_slice %arg3[%add3A_818] : memref<640000xi32, #tpu.memory_space<hbm>> -> memref<80xi32, #tpu.memory_space<hbm>>
        %dma_start3A_824 = arith.constant 0 : i32
        %dma_start3A_825 = tpu.memref_slice %arg7[%dma_start3A_819, %dma_start3A_824] : memref<6x80xi32, #tpu.memory_space<vmem>> -> memref<1x80xi32, #tpu.memory_space<vmem>>
        %dma_start3A_826 = tpu.memref_squeeze %dma_start3A_825 : memref<1x80xi32, #tpu.memory_space<vmem>> -> memref<80xi32, #tpu.memory_space<vmem>>
        %dma_start3A_827 = tpu.memref_slice %arg3[%add3A_818] : memref<640000xi32, #tpu.memory_space<hbm>> -> memref<80xi32, #tpu.memory_space<hbm>>
        tpu.enqueue_dma source(%dma_start3A_827 : memref<80xi32, #tpu.memory_space<hbm>>) target(%dma_start3A_826 : memref<80xi32, #tpu.memory_space<vmem>>) target_semaphore(%arg22 : memref<!tpu.dma_semaphore, #tpu.memory_space<semaphore_mem>>)
      } else {
      }
      %dma_wait3A_789 = arith.constant 1 : i32
      %dma_wait3A_790 = arith.constant 0 : i32
      %dma_wait3A_791 = tpu.memref_slice %arg6[%dma_wait3A_789, %dma_wait3A_790] : memref<6x80xi32, #tpu.memory_space<vmem>> -> memref<1x80xi32, #tpu.memory_space<vmem>>
      %dma_wait3A_792 = tpu.memref_squeeze %dma_wait3A_791 : memref<1x80xi32, #tpu.memory_space<vmem>> -> memref<80xi32, #tpu.memory_space<vmem>>
      %dma_wait3A_793 = arith.constant 0 : i32
      %dma_wait3A_794 = arith.constant 0 : i32
      %dma_wait3A_795 = tpu.memref_slice %arg2[%dma_wait3A_793, %dma_wait3A_794] : memref<10000x128xf32, #tpu.memory_space<hbm>> -> memref<10000x128xf32, #tpu.memory_space<hbm>>
      tpu.wait_indirect_dma semaphore(%arg12 : memref<!tpu.dma_semaphore, #tpu.memory_space<semaphore_mem>>) src(%dma_wait3A_795 : memref<10000x128xf32, #tpu.memory_space<hbm>>) dst(%arg9 : memref<80x128xf32, #tpu.memory_space<vmem>>)
      %dma_start3A_796 = arith.constant 1 : i32
      %dma_start3A_797 = arith.constant 0 : i32
      %dma_start3A_798 = tpu.memref_slice %arg7[%dma_start3A_796, %dma_start3A_797] : memref<6x80xi32, #tpu.memory_space<vmem>> -> memref<1x80xi32, #tpu.memory_space<vmem>>
      %dma_start3A_799 = tpu.memref_squeeze %dma_start3A_798 : memref<1x80xi32, #tpu.memory_space<vmem>> -> memref<80xi32, #tpu.memory_space<vmem>>
      %dma_start3A_800 = arith.constant 0 : i32
      %dma_start3A_801 = arith.constant 0 : i32
      %dma_start3A_802 = tpu.memref_slice %arg5[%dma_start3A_800, %dma_start3A_801] : memref<10240x128xf32, #tpu.memory_space<vmem_shared>> -> memref<10240x128xf32, #tpu.memory_space<vmem_shared>>
      tpu.enqueue_indirect_dma source(%arg9 : memref<80x128xf32, #tpu.memory_space<vmem>>) target(%dma_start3A_802 : memref<10240x128xf32, #tpu.memory_space<vmem_shared>>) offsets(%dma_start3A_799 : memref<80xi32, #tpu.memory_space<vmem>>) semaphore(%arg15 : memref<!tpu.dma_semaphore, #tpu.memory_space<semaphore_mem>>) {add = true}
      %scan3A_803 = arith.constant 0 : i32
      scf.yield %scan3A_803 : i32
    }
    %scan3A_297 = arith.constant 20 : i32
    %dma_wait3A_298 = arith.constant 0 : i32
    %dma_wait3A_299 = arith.constant 0 : i32
    %dma_wait3A_300 = tpu.memref_slice %arg7[%dma_wait3A_298, %dma_wait3A_299] : memref<6x80xi32, #tpu.memory_space<vmem>> -> memref<1x80xi32, #tpu.memory_space<vmem>>
    %dma_wait3A_301 = tpu.memref_squeeze %dma_wait3A_300 : memref<1x80xi32, #tpu.memory_space<vmem>> -> memref<80xi32, #tpu.memory_space<vmem>>
    %dma_wait3A_302 = arith.constant 0 : i32
    %dma_wait3A_303 = arith.constant 0 : i32
    %dma_wait3A_304 = tpu.memref_slice %arg5[%dma_wait3A_302, %dma_wait3A_303] : memref<10240x128xf32, #tpu.memory_space<vmem_shared>> -> memref<10240x128xf32, #tpu.memory_space<vmem_shared>>
    tpu.wait_indirect_dma semaphore(%arg14 : memref<!tpu.dma_semaphore, #tpu.memory_space<semaphore_mem>>) src(%arg8 : memref<80x128xf32, #tpu.memory_space<vmem>>) dst(%dma_wait3A_304 : memref<10240x128xf32, #tpu.memory_space<vmem_shared>>)
    %dma_wait3A_305 = arith.constant 3 : i32
    %dma_wait3A_306 = arith.constant 0 : i32
    %dma_wait3A_307 = tpu.memref_slice %arg6[%dma_wait3A_305, %dma_wait3A_306] : memref<6x80xi32, #tpu.memory_space<vmem>> -> memref<1x80xi32, #tpu.memory_space<vmem>>
    %dma_wait3A_308 = tpu.memref_squeeze %dma_wait3A_307 : memref<1x80xi32, #tpu.memory_space<vmem>> -> memref<80xi32, #tpu.memory_space<vmem>>
    %dma_wait3A_309 = arith.constant 0 : i32
    %dma_wait3A_310 = tpu.memref_slice %arg3[%dma_wait3A_309] : memref<640000xi32, #tpu.memory_space<hbm>> -> memref<80xi32, #tpu.memory_space<hbm>>
    %dma_wait3A_311 = arith.constant 0 : i32
    %dma_wait3A_312 = tpu.memref_slice %arg6[%dma_wait3A_305, %dma_wait3A_311] : memref<6x80xi32, #tpu.memory_space<vmem>> -> memref<1x80xi32, #tpu.memory_space<vmem>>
    %dma_wait3A_313 = tpu.memref_squeeze %dma_wait3A_312 : memref<1x80xi32, #tpu.memory_space<vmem>> -> memref<80xi32, #tpu.memory_space<vmem>>
    %dma_wait3A_314 = arith.constant 0 : i32
    %dma_wait3A_315 = tpu.memref_slice %arg3[%dma_wait3A_314] : memref<640000xi32, #tpu.memory_space<hbm>> -> memref<80xi32, #tpu.memory_space<hbm>>
    tpu.wait_dma2 semaphore(%arg20 : memref<!tpu.dma_semaphore, #tpu.memory_space<semaphore_mem>>) src(%dma_wait3A_315 : memref<80xi32, #tpu.memory_space<hbm>>) dst(%dma_wait3A_313 : memref<80xi32, #tpu.memory_space<vmem>>)
    %dma_wait3A_316 = arith.constant 3 : i32
    %dma_wait3A_317 = arith.constant 0 : i32
    %dma_wait3A_318 = tpu.memref_slice %arg7[%dma_wait3A_316, %dma_wait3A_317] : memref<6x80xi32, #tpu.memory_space<vmem>> -> memref<1x80xi32, #tpu.memory_space<vmem>>
    %dma_wait3A_319 = tpu.memref_squeeze %dma_wait3A_318 : memref<1x80xi32, #tpu.memory_space<vmem>> -> memref<80xi32, #tpu.memory_space<vmem>>
    %dma_wait3A_320 = arith.constant 0 : i32
    %dma_wait3A_321 = tpu.memref_slice %arg3[%dma_wait3A_320] : memref<640000xi32, #tpu.memory_space<hbm>> -> memref<80xi32, #tpu.memory_space<hbm>>
    %dma_wait3A_322 = arith.constant 0 : i32
    %dma_wait3A_323 = tpu.memref_slice %arg7[%dma_wait3A_316, %dma_wait3A_322] : memref<6x80xi32, #tpu.memory_space<vmem>> -> memref<1x80xi32, #tpu.memory_space<vmem>>
    %dma_wait3A_324 = tpu.memref_squeeze %dma_wait3A_323 : memref<1x80xi32, #tpu.memory_space<vmem>> -> memref<80xi32, #tpu.memory_space<vmem>>
    %dma_wait3A_325 = arith.constant 0 : i32
    %dma_wait3A_326 = tpu.memref_slice %arg3[%dma_wait3A_325] : memref<640000xi32, #tpu.memory_space<hbm>> -> memref<80xi32, #tpu.memory_space<hbm>>
    tpu.wait_dma2 semaphore(%arg20 : memref<!tpu.dma_semaphore, #tpu.memory_space<semaphore_mem>>) src(%dma_wait3A_326 : memref<80xi32, #tpu.memory_space<hbm>>) dst(%dma_wait3A_324 : memref<80xi32, #tpu.memory_space<vmem>>)
    %dma_start3A_327 = arith.constant 3 : i32
    %dma_start3A_328 = arith.constant 0 : i32
    %dma_start3A_329 = tpu.memref_slice %arg6[%dma_start3A_327, %dma_start3A_328] : memref<6x80xi32, #tpu.memory_space<vmem>> -> memref<1x80xi32, #tpu.memory_space<vmem>>
    %dma_start3A_330 = tpu.memref_squeeze %dma_start3A_329 : memref<1x80xi32, #tpu.memory_space<vmem>> -> memref<80xi32, #tpu.memory_space<vmem>>
    %dma_start3A_331 = arith.constant 0 : i32
    %dma_start3A_332 = arith.constant 0 : i32
    %dma_start3A_333 = tpu.memref_slice %arg2[%dma_start3A_331, %dma_start3A_332] : memref<10000x128xf32, #tpu.memory_space<hbm>> -> memref<10000x128xf32, #tpu.memory_space<hbm>>
    tpu.enqueue_indirect_dma source(%dma_start3A_333 : memref<10000x128xf32, #tpu.memory_space<hbm>>) target(%arg8 : memref<80x128xf32, #tpu.memory_space<vmem>>) offsets(%dma_start3A_330 : memref<80xi32, #tpu.memory_space<vmem>>) semaphore(%arg11 : memref<!tpu.dma_semaphore, #tpu.memory_space<semaphore_mem>>)
    %dma_wait3A_334 = arith.constant 2 : i32
    %dma_wait3A_335 = arith.constant 0 : i32
    %dma_wait3A_336 = tpu.memref_slice %arg6[%dma_wait3A_334, %dma_wait3A_335] : memref<6x80xi32, #tpu.memory_space<vmem>> -> memref<1x80xi32, #tpu.memory_space<vmem>>
    %dma_wait3A_337 = tpu.memref_squeeze %dma_wait3A_336 : memref<1x80xi32, #tpu.memory_space<vmem>> -> memref<80xi32, #tpu.memory_space<vmem>>
    %dma_wait3A_338 = arith.constant 0 : i32
    %dma_wait3A_339 = arith.constant 0 : i32
    %dma_wait3A_340 = tpu.memref_slice %arg2[%dma_wait3A_338, %dma_wait3A_339] : memref<10000x128xf32, #tpu.memory_space<hbm>> -> memref<10000x128xf32, #tpu.memory_space<hbm>>
    tpu.wait_indirect_dma semaphore(%arg13 : memref<!tpu.dma_semaphore, #tpu.memory_space<semaphore_mem>>) src(%dma_wait3A_340 : memref<10000x128xf32, #tpu.memory_space<hbm>>) dst(%arg10 : memref<80x128xf32, #tpu.memory_space<vmem>>)
    %dma_start3A_341 = arith.constant 2 : i32
    %dma_start3A_342 = arith.constant 0 : i32
    %dma_start3A_343 = tpu.memref_slice %arg7[%dma_start3A_341, %dma_start3A_342] : memref<6x80xi32, #tpu.memory_space<vmem>> -> memref<1x80xi32, #tpu.memory_space<vmem>>
    %dma_start3A_344 = tpu.memref_squeeze %dma_start3A_343 : memref<1x80xi32, #tpu.memory_space<vmem>> -> memref<80xi32, #tpu.memory_space<vmem>>
    %dma_start3A_345 = arith.constant 0 : i32
    %dma_start3A_346 = arith.constant 0 : i32
    %dma_start3A_347 = tpu.memref_slice %arg5[%dma_start3A_345, %dma_start3A_346] : memref<10240x128xf32, #tpu.memory_space<vmem_shared>> -> memref<10240x128xf32, #tpu.memory_space<vmem_shared>>
    tpu.enqueue_indirect_dma source(%arg10 : memref<80x128xf32, #tpu.memory_space<vmem>>) target(%dma_start3A_347 : memref<10240x128xf32, #tpu.memory_space<vmem_shared>>) offsets(%dma_start3A_344 : memref<80xi32, #tpu.memory_space<vmem>>) semaphore(%arg16 : memref<!tpu.dma_semaphore, #tpu.memory_space<semaphore_mem>>) {add = true}
    %dma_wait3A_348 = arith.constant 1 : i32
    %dma_wait3A_349 = arith.constant 0 : i32
    %dma_wait3A_350 = tpu.memref_slice %arg7[%dma_wait3A_348, %dma_wait3A_349] : memref<6x80xi32, #tpu.memory_space<vmem>> -> memref<1x80xi32, #tpu.memory_space<vmem>>
    %dma_wait3A_351 = tpu.memref_squeeze %dma_wait3A_350 : memref<1x80xi32, #tpu.memory_space<vmem>> -> memref<80xi32, #tpu.memory_space<vmem>>
    %dma_wait3A_352 = arith.constant 0 : i32
    %dma_wait3A_353 = arith.constant 0 : i32
    %dma_wait3A_354 = tpu.memref_slice %arg5[%dma_wait3A_352, %dma_wait3A_353] : memref<10240x128xf32, #tpu.memory_space<vmem_shared>> -> memref<10240x128xf32, #tpu.memory_space<vmem_shared>>
    tpu.wait_indirect_dma semaphore(%arg15 : memref<!tpu.dma_semaphore, #tpu.memory_space<semaphore_mem>>) src(%arg9 : memref<80x128xf32, #tpu.memory_space<vmem>>) dst(%dma_wait3A_354 : memref<10240x128xf32, #tpu.memory_space<vmem_shared>>)
    %dma_wait3A_355 = arith.constant 4 : i32
    %dma_wait3A_356 = arith.constant 0 : i32
    %dma_wait3A_357 = tpu.memref_slice %arg6[%dma_wait3A_355, %dma_wait3A_356] : memref<6x80xi32, #tpu.memory_space<vmem>> -> memref<1x80xi32, #tpu.memory_space<vmem>>
    %dma_wait3A_358 = tpu.memref_squeeze %dma_wait3A_357 : memref<1x80xi32, #tpu.memory_space<vmem>> -> memref<80xi32, #tpu.memory_space<vmem>>
    %dma_wait3A_359 = arith.constant 0 : i32
    %dma_wait3A_360 = tpu.memref_slice %arg3[%dma_wait3A_359] : memref<640000xi32, #tpu.memory_space<hbm>> -> memref<80xi32, #tpu.memory_space<hbm>>
    %dma_wait3A_361 = arith.constant 0 : i32
    %dma_wait3A_362 = tpu.memref_slice %arg6[%dma_wait3A_355, %dma_wait3A_361] : memref<6x80xi32, #tpu.memory_space<vmem>> -> memref<1x80xi32, #tpu.memory_space<vmem>>
    %dma_wait3A_363 = tpu.memref_squeeze %dma_wait3A_362 : memref<1x80xi32, #tpu.memory_space<vmem>> -> memref<80xi32, #tpu.memory_space<vmem>>
    %dma_wait3A_364 = arith.constant 0 : i32
    %dma_wait3A_365 = tpu.memref_slice %arg3[%dma_wait3A_364] : memref<640000xi32, #tpu.memory_space<hbm>> -> memref<80xi32, #tpu.memory_space<hbm>>
    tpu.wait_dma2 semaphore(%arg21 : memref<!tpu.dma_semaphore, #tpu.memory_space<semaphore_mem>>) src(%dma_wait3A_365 : memref<80xi32, #tpu.memory_space<hbm>>) dst(%dma_wait3A_363 : memref<80xi32, #tpu.memory_space<vmem>>)
    %dma_wait3A_366 = arith.constant 4 : i32
    %dma_wait3A_367 = arith.constant 0 : i32
    %dma_wait3A_368 = tpu.memref_slice %arg7[%dma_wait3A_366, %dma_wait3A_367] : memref<6x80xi32, #tpu.memory_space<vmem>> -> memref<1x80xi32, #tpu.memory_space<vmem>>
    %dma_wait3A_369 = tpu.memref_squeeze %dma_wait3A_368 : memref<1x80xi32, #tpu.memory_space<vmem>> -> memref<80xi32, #tpu.memory_space<vmem>>
    %dma_wait3A_370 = arith.constant 0 : i32
    %dma_wait3A_371 = tpu.memref_slice %arg3[%dma_wait3A_370] : memref<640000xi32, #tpu.memory_space<hbm>> -> memref<80xi32, #tpu.memory_space<hbm>>
    %dma_wait3A_372 = arith.constant 0 : i32
    %dma_wait3A_373 = tpu.memref_slice %arg7[%dma_wait3A_366, %dma_wait3A_372] : memref<6x80xi32, #tpu.memory_space<vmem>> -> memref<1x80xi32, #tpu.memory_space<vmem>>
    %dma_wait3A_374 = tpu.memref_squeeze %dma_wait3A_373 : memref<1x80xi32, #tpu.memory_space<vmem>> -> memref<80xi32, #tpu.memory_space<vmem>>
    %dma_wait3A_375 = arith.constant 0 : i32
    %dma_wait3A_376 = tpu.memref_slice %arg3[%dma_wait3A_375] : memref<640000xi32, #tpu.memory_space<hbm>> -> memref<80xi32, #tpu.memory_space<hbm>>
    tpu.wait_dma2 semaphore(%arg21 : memref<!tpu.dma_semaphore, #tpu.memory_space<semaphore_mem>>) src(%dma_wait3A_376 : memref<80xi32, #tpu.memory_space<hbm>>) dst(%dma_wait3A_374 : memref<80xi32, #tpu.memory_space<vmem>>)
    %dma_start3A_377 = arith.constant 4 : i32
    %dma_start3A_378 = arith.constant 0 : i32
    %dma_start3A_379 = tpu.memref_slice %arg6[%dma_start3A_377, %dma_start3A_378] : memref<6x80xi32, #tpu.memory_space<vmem>> -> memref<1x80xi32, #tpu.memory_space<vmem>>
    %dma_start3A_380 = tpu.memref_squeeze %dma_start3A_379 : memref<1x80xi32, #tpu.memory_space<vmem>> -> memref<80xi32, #tpu.memory_space<vmem>>
    %dma_start3A_381 = arith.constant 0 : i32
    %dma_start3A_382 = arith.constant 0 : i32
    %dma_start3A_383 = tpu.memref_slice %arg2[%dma_start3A_381, %dma_start3A_382] : memref<10000x128xf32, #tpu.memory_space<hbm>> -> memref<10000x128xf32, #tpu.memory_space<hbm>>
    tpu.enqueue_indirect_dma source(%dma_start3A_383 : memref<10000x128xf32, #tpu.memory_space<hbm>>) target(%arg9 : memref<80x128xf32, #tpu.memory_space<vmem>>) offsets(%dma_start3A_380 : memref<80xi32, #tpu.memory_space<vmem>>) semaphore(%arg12 : memref<!tpu.dma_semaphore, #tpu.memory_space<semaphore_mem>>)
    %dma_wait3A_384 = arith.constant 3 : i32
    %dma_wait3A_385 = arith.constant 0 : i32
    %dma_wait3A_386 = tpu.memref_slice %arg6[%dma_wait3A_384, %dma_wait3A_385] : memref<6x80xi32, #tpu.memory_space<vmem>> -> memref<1x80xi32, #tpu.memory_space<vmem>>
    %dma_wait3A_387 = tpu.memref_squeeze %dma_wait3A_386 : memref<1x80xi32, #tpu.memory_space<vmem>> -> memref<80xi32, #tpu.memory_space<vmem>>
    %dma_wait3A_388 = arith.constant 0 : i32
    %dma_wait3A_389 = arith.constant 0 : i32
    %dma_wait3A_390 = tpu.memref_slice %arg2[%dma_wait3A_388, %dma_wait3A_389] : memref<10000x128xf32, #tpu.memory_space<hbm>> -> memref<10000x128xf32, #tpu.memory_space<hbm>>
    tpu.wait_indirect_dma semaphore(%arg11 : memref<!tpu.dma_semaphore, #tpu.memory_space<semaphore_mem>>) src(%dma_wait3A_390 : memref<10000x128xf32, #tpu.memory_space<hbm>>) dst(%arg8 : memref<80x128xf32, #tpu.memory_space<vmem>>)
    %dma_start3A_391 = arith.constant 3 : i32
    %dma_start3A_392 = arith.constant 0 : i32
    %dma_start3A_393 = tpu.memref_slice %arg7[%dma_start3A_391, %dma_start3A_392] : memref<6x80xi32, #tpu.memory_space<vmem>> -> memref<1x80xi32, #tpu.memory_space<vmem>>
    %dma_start3A_394 = tpu.memref_squeeze %dma_start3A_393 : memref<1x80xi32, #tpu.memory_space<vmem>> -> memref<80xi32, #tpu.memory_space<vmem>>
    %dma_start3A_395 = arith.constant 0 : i32
    %dma_start3A_396 = arith.constant 0 : i32
    %dma_start3A_397 = tpu.memref_slice %arg5[%dma_start3A_395, %dma_start3A_396] : memref<10240x128xf32, #tpu.memory_space<vmem_shared>> -> memref<10240x128xf32, #tpu.memory_space<vmem_shared>>
    tpu.enqueue_indirect_dma source(%arg8 : memref<80x128xf32, #tpu.memory_space<vmem>>) target(%dma_start3A_397 : memref<10240x128xf32, #tpu.memory_space<vmem_shared>>) offsets(%dma_start3A_394 : memref<80xi32, #tpu.memory_space<vmem>>) semaphore(%arg14 : memref<!tpu.dma_semaphore, #tpu.memory_space<semaphore_mem>>) {add = true}
    %dma_wait3A_398 = arith.constant 2 : i32
    %dma_wait3A_399 = arith.constant 0 : i32
    %dma_wait3A_400 = tpu.memref_slice %arg7[%dma_wait3A_398, %dma_wait3A_399] : memref<6x80xi32, #tpu.memory_space<vmem>> -> memref<1x80xi32, #tpu.memory_space<vmem>>
    %dma_wait3A_401 = tpu.memref_squeeze %dma_wait3A_400 : memref<1x80xi32, #tpu.memory_space<vmem>> -> memref<80xi32, #tpu.memory_space<vmem>>
    %dma_wait3A_402 = arith.constant 0 : i32
    %dma_wait3A_403 = arith.constant 0 : i32
    %dma_wait3A_404 = tpu.memref_slice %arg5[%dma_wait3A_402, %dma_wait3A_403] : memref<10240x128xf32, #tpu.memory_space<vmem_shared>> -> memref<10240x128xf32, #tpu.memory_space<vmem_shared>>
    tpu.wait_indirect_dma semaphore(%arg16 : memref<!tpu.dma_semaphore, #tpu.memory_space<semaphore_mem>>) src(%arg10 : memref<80x128xf32, #tpu.memory_space<vmem>>) dst(%dma_wait3A_404 : memref<10240x128xf32, #tpu.memory_space<vmem_shared>>)
    %dma_wait3A_405 = arith.constant 4 : i32
    %dma_wait3A_406 = arith.constant 0 : i32
    %dma_wait3A_407 = tpu.memref_slice %arg6[%dma_wait3A_405, %dma_wait3A_406] : memref<6x80xi32, #tpu.memory_space<vmem>> -> memref<1x80xi32, #tpu.memory_space<vmem>>
    %dma_wait3A_408 = tpu.memref_squeeze %dma_wait3A_407 : memref<1x80xi32, #tpu.memory_space<vmem>> -> memref<80xi32, #tpu.memory_space<vmem>>
    %dma_wait3A_409 = arith.constant 0 : i32
    %dma_wait3A_410 = arith.constant 0 : i32
    %dma_wait3A_411 = tpu.memref_slice %arg2[%dma_wait3A_409, %dma_wait3A_410] : memref<10000x128xf32, #tpu.memory_space<hbm>> -> memref<10000x128xf32, #tpu.memory_space<hbm>>
    tpu.wait_indirect_dma semaphore(%arg12 : memref<!tpu.dma_semaphore, #tpu.memory_space<semaphore_mem>>) src(%dma_wait3A_411 : memref<10000x128xf32, #tpu.memory_space<hbm>>) dst(%arg9 : memref<80x128xf32, #tpu.memory_space<vmem>>)
    %dma_start3A_412 = arith.constant 4 : i32
    %dma_start3A_413 = arith.constant 0 : i32
    %dma_start3A_414 = tpu.memref_slice %arg7[%dma_start3A_412, %dma_start3A_413] : memref<6x80xi32, #tpu.memory_space<vmem>> -> memref<1x80xi32, #tpu.memory_space<vmem>>
    %dma_start3A_415 = tpu.memref_squeeze %dma_start3A_414 : memref<1x80xi32, #tpu.memory_space<vmem>> -> memref<80xi32, #tpu.memory_space<vmem>>
    %dma_start3A_416 = arith.constant 0 : i32
    %dma_start3A_417 = arith.constant 0 : i32
    %dma_start3A_418 = tpu.memref_slice %arg5[%dma_start3A_416, %dma_start3A_417] : memref<10240x128xf32, #tpu.memory_space<vmem_shared>> -> memref<10240x128xf32, #tpu.memory_space<vmem_shared>>
    tpu.enqueue_indirect_dma source(%arg9 : memref<80x128xf32, #tpu.memory_space<vmem>>) target(%dma_start3A_418 : memref<10240x128xf32, #tpu.memory_space<vmem_shared>>) offsets(%dma_start3A_415 : memref<80xi32, #tpu.memory_space<vmem>>) semaphore(%arg15 : memref<!tpu.dma_semaphore, #tpu.memory_space<semaphore_mem>>) {add = true}
    %dma_wait3A_419 = arith.constant 3 : i32
    %dma_wait3A_420 = arith.constant 0 : i32
    %dma_wait3A_421 = tpu.memref_slice %arg7[%dma_wait3A_419, %dma_wait3A_420] : memref<6x80xi32, #tpu.memory_space<vmem>> -> memref<1x80xi32, #tpu.memory_space<vmem>>
    %dma_wait3A_422 = tpu.memref_squeeze %dma_wait3A_421 : memref<1x80xi32, #tpu.memory_space<vmem>> -> memref<80xi32, #tpu.memory_space<vmem>>
    %dma_wait3A_423 = arith.constant 0 : i32
    %dma_wait3A_424 = arith.constant 0 : i32
    %dma_wait3A_425 = tpu.memref_slice %arg5[%dma_wait3A_423, %dma_wait3A_424] : memref<10240x128xf32, #tpu.memory_space<vmem_shared>> -> memref<10240x128xf32, #tpu.memory_space<vmem_shared>>
    tpu.wait_indirect_dma semaphore(%arg14 : memref<!tpu.dma_semaphore, #tpu.memory_space<semaphore_mem>>) src(%arg8 : memref<80x128xf32, #tpu.memory_space<vmem>>) dst(%dma_wait3A_425 : memref<10240x128xf32, #tpu.memory_space<vmem_shared>>)
    %dma_wait3A_426 = arith.constant 4 : i32
    %dma_wait3A_427 = arith.constant 0 : i32
    %dma_wait3A_428 = tpu.memref_slice %arg7[%dma_wait3A_426, %dma_wait3A_427] : memref<6x80xi32, #tpu.memory_space<vmem>> -> memref<1x80xi32, #tpu.memory_space<vmem>>
    %dma_wait3A_429 = tpu.memref_squeeze %dma_wait3A_428 : memref<1x80xi32, #tpu.memory_space<vmem>> -> memref<80xi32, #tpu.memory_space<vmem>>
    %dma_wait3A_430 = arith.constant 0 : i32
    %dma_wait3A_431 = arith.constant 0 : i32
    %dma_wait3A_432 = tpu.memref_slice %arg5[%dma_wait3A_430, %dma_wait3A_431] : memref<10240x128xf32, #tpu.memory_space<vmem_shared>> -> memref<10240x128xf32, #tpu.memory_space<vmem_shared>>
    tpu.wait_indirect_dma semaphore(%arg15 : memref<!tpu.dma_semaphore, #tpu.memory_space<semaphore_mem>>) src(%arg9 : memref<80x128xf32, #tpu.memory_space<vmem>>) dst(%dma_wait3A_432 : memref<10240x128xf32, #tpu.memory_space<vmem_shared>>)
    %barrier3A_433 = arith.constant 0 : index
    tpu.barrier barrier_id(%barrier3A_433)
    "tpu.region"() ({
      %run_scoped3A = tpu.sem_alloc : memref<!tpu.dma_semaphore, #tpu.memory_space<semaphore_mem>>
      %dma_start3A_434 = arith.constant 0 : i32
      %dma_start3A_435 = tpu.memref_slice %arg4[%arg0, %mul3A_138, %dma_start3A_434] : memref<2x10240x128xf32, #tpu.memory_space<hbm>> -> memref<1x640x128xf32, #tpu.memory_space<hbm>>
      %dma_start3A_436 = tpu.memref_squeeze %dma_start3A_435 : memref<1x640x128xf32, #tpu.memory_space<hbm>> -> memref<640x128xf32, #tpu.memory_space<hbm>>
      %dma_start3A_437 = arith.constant 0 : i32
      %dma_start3A_438 = tpu.memref_slice %arg5[%mul3A_138, %dma_start3A_437] : memref<10240x128xf32, #tpu.memory_space<vmem_shared>> -> memref<640x128xf32, #tpu.memory_space<vmem_shared>>
      tpu.enqueue_dma source(%dma_start3A_438 : memref<640x128xf32, #tpu.memory_space<vmem_shared>>) target(%dma_start3A_436 : memref<640x128xf32, #tpu.memory_space<hbm>>) target_semaphore(%run_scoped3A : memref<!tpu.dma_semaphore, #tpu.memory_space<semaphore_mem>>)
      %dma_wait3A_439 = arith.constant 0 : i32
      %dma_wait3A_440 = tpu.memref_slice %arg4[%arg0, %mul3A_138, %dma_wait3A_439] : memref<2x10240x128xf32, #tpu.memory_space<hbm>> -> memref<1x640x128xf32, #tpu.memory_space<hbm>>
      %dma_wait3A_441 = tpu.memref_squeeze %dma_wait3A_440 : memref<1x640x128xf32, #tpu.memory_space<hbm>> -> memref<640x128xf32, #tpu.memory_space<hbm>>
      %dma_wait3A_442 = arith.constant 0 : i32
      %dma_wait3A_443 = tpu.memref_slice %arg5[%mul3A_138, %dma_wait3A_442] : memref<10240x128xf32, #tpu.memory_space<vmem_shared>> -> memref<640x128xf32, #tpu.memory_space<vmem_shared>>
      tpu.wait_dma2 semaphore(%run_scoped3A : memref<!tpu.dma_semaphore, #tpu.memory_space<semaphore_mem>>) src(%dma_wait3A_443 : memref<640x128xf32, #tpu.memory_space<vmem_shared>>) dst(%dma_wait3A_441 : memref<640x128xf32, #tpu.memory_space<hbm>>)
      tpu.yield
    }) : () -> ()
    return
  }
}

module attributes {stable_mosaic.version = 14 : i64} {
  func.func @_tc_body(%arg0: i32, %arg1: memref<2x2000x128xf32, #tpu.memory_space<vmem>>, %arg2: memref<2000x128xf32, #tpu.memory_space<vmem>>, %arg3: memref<128x128xf32, #tpu.memory_space<vmem>>, %arg4: memref<128x128xf32, #tpu.memory_space<vmem>>, %arg5: memref<1x128xf32, #tpu.memory_space<vmem>>, %arg6: memref<2000x128xf32, #tpu.memory_space<vmem>>) attributes {dimension_semantics = [#tpu.dimension_semantics<arbitrary>], iteration_bounds = array<i64: 5>, scalar_prefetch = 0 : i64, scratch_operands = 0 : i64, tpu.core_type = #tpu.core_type<tc>, window_params = [{transform_indices = @transform_0, window_bounds = array<i64: 2, 2000, 128>}, {transform_indices = @transform_1, window_bounds = array<i64: 2000, 128>}, {pipeline_mode = #tpu.pipeline_mode<synchronous>, transform_indices = @transform_2, window_bounds = array<i64: 128, 128>}, {pipeline_mode = #tpu.pipeline_mode<synchronous>, transform_indices = @transform_3, window_bounds = array<i64: 128, 128>}, {pipeline_mode = #tpu.pipeline_mode<synchronous>, transform_indices = @transform_4, window_bounds = array<i64: 1, 128>}, {transform_indices = @transform_5, window_bounds = array<i64: 2000, 128>}]} {
    %get3A = arith.constant 0 : index
    %get3A_0 = arith.constant 0 : index
    %get3A_1 = arith.constant 0 : index
    %get3A_2 = vector.load %arg1[%get3A, %get3A_0, %get3A_1] : memref<2x2000x128xf32, #tpu.memory_space<vmem>>, vector<1x2000x128xf32>
    %get3A_3 = vector.shape_cast %get3A_2 : vector<1x2000x128xf32> to vector<2000x128xf32>
    %get3A_4 = arith.constant 1 : index
    %get3A_5 = arith.constant 0 : index
    %get3A_6 = arith.constant 0 : index
    %get3A_7 = vector.load %arg1[%get3A_4, %get3A_5, %get3A_6] : memref<2x2000x128xf32, #tpu.memory_space<vmem>>, vector<1x2000x128xf32>
    %get3A_8 = vector.shape_cast %get3A_7 : vector<1x2000x128xf32> to vector<2000x128xf32>
    %add3A = arith.addf %get3A_3, %get3A_8 : vector<2000x128xf32>
    %get3A_9 = arith.constant 0 : index
    %get3A_10 = arith.constant 0 : index
    %get3A_11 = vector.load %arg3[%get3A_9, %get3A_10] : memref<128x128xf32, #tpu.memory_space<vmem>>, vector<128x128xf32>
    %dot_general3A = arith.constant dense<0.000000e+00> : vector<2000x128xf32>
    %dot_general3A_12 = tpu.matmul %add3A, %get3A_11, %dot_general3A {dimension_numbers = #tpu.dot_dimension_numbers<[1], [0], [0], [1], [0, 0, 1, 1], [], []>, transpose_lhs_hint = false} : vector<2000x128xf32>, vector<128x128xf32>, vector<2000x128xf32> -> vector<2000x128xf32>
    %get3A_13 = arith.constant 0 : index
    %get3A_14 = arith.constant 0 : index
    %get3A_15 = vector.load %arg2[%get3A_13, %get3A_14] : memref<2000x128xf32, #tpu.memory_space<vmem>>, vector<2000x128xf32>
    %get3A_16 = arith.constant 0 : index
    %get3A_17 = arith.constant 0 : index
    %get3A_18 = vector.load %arg4[%get3A_16, %get3A_17] : memref<128x128xf32, #tpu.memory_space<vmem>>, vector<128x128xf32>
    %dot_general3A_19 = arith.constant dense<0.000000e+00> : vector<2000x128xf32>
    %dot_general3A_20 = tpu.matmul %get3A_15, %get3A_18, %dot_general3A_19 {dimension_numbers = #tpu.dot_dimension_numbers<[1], [0], [0], [1], [0, 0, 1, 1], [], []>, transpose_lhs_hint = false} : vector<2000x128xf32>, vector<128x128xf32>, vector<2000x128xf32> -> vector<2000x128xf32>
    %add3A_21 = arith.addf %dot_general3A_12, %dot_general3A_20 : vector<2000x128xf32>
    %get3A_22 = arith.constant 0 : index
    %get3A_23 = arith.constant 0 : index
    %get3A_24 = vector.load %arg5[%get3A_22, %get3A_23] : memref<1x128xf32, #tpu.memory_space<vmem>>, vector<1x128xf32>
    %add3A_25 = vector.broadcast %get3A_24 : vector<1x128xf32> to vector<2000x128xf32>
    %add3A_26 = arith.addf %add3A_21, %add3A_25 : vector<2000x128xf32>
    %max3A = arith.constant 0.000000e+00 : f32
    %max3A_27 = vector.broadcast %max3A : f32 to vector<2000x128xf32>
    %max3A_28 = arith.maximumf %add3A_26, %max3A_27 : vector<2000x128xf32>
    %swap3A = arith.constant 0 : index
    %swap3A_29 = arith.constant 0 : index
    %swap3A_30 = vector.load %arg6[%swap3A, %swap3A_29] : memref<2000x128xf32, #tpu.memory_space<vmem>>, vector<2000x128xf32>
    tpu.vector_store %arg6[%swap3A, %swap3A_29], %max3A_28 {strides = array<i32>} : memref<2000x128xf32, #tpu.memory_space<vmem>>, vector<2000x128xf32>,
    return
  }
  func.func @transform_0(%arg0: i32) -> (i32, i32, i32) {
    %c0_i32 = arith.constant 0 : i32
    %c0_i32_0 = arith.constant 0 : i32
    %c0_i32_1 = arith.constant 0 : i32
    return %c0_i32, %arg0, %c0_i32_0 : i32, i32, i32
  }
  func.func @transform_1(%arg0: i32) -> (i32, i32) {
    %c0_i32 = arith.constant 0 : i32
    %c0_i32_0 = arith.constant 0 : i32
    return %arg0, %c0_i32 : i32, i32
  }
  func.func @transform_2(%arg0: i32) -> (i32, i32) {
    %c0_i32 = arith.constant 0 : i32
    %c0_i32_0 = arith.constant 0 : i32
    %c0_i32_1 = arith.constant 0 : i32
    return %c0_i32, %c0_i32_0 : i32, i32
  }
  func.func @transform_3(%arg0: i32) -> (i32, i32) {
    %c0_i32 = arith.constant 0 : i32
    %c0_i32_0 = arith.constant 0 : i32
    %c0_i32_1 = arith.constant 0 : i32
    return %c0_i32, %c0_i32_0 : i32, i32
  }
  func.func @transform_4(%arg0: i32) -> (i32, i32) {
    %c0_i32 = arith.constant 0 : i32
    %c0_i32_0 = arith.constant 0 : i32
    %c0_i32_1 = arith.constant 0 : i32
    return %c0_i32, %c0_i32_0 : i32, i32
  }
  func.func @transform_5(%arg0: i32) -> (i32, i32) {
    %c0_i32 = arith.constant 0 : i32
    %c0_i32_0 = arith.constant 0 : i32
    return %arg0, %c0_i32 : i32, i32
  }
}

</mosaic_0001>

<sc_bundles>
// kernel: kernel.4.cloned.1.call-start
scs
__scs_entry_jumppad:
0x0: {  	(pc) =	sbr.rel $0x88, $3  }
0x1: {  	(tag) =	ssettag $0x0;
	lr =	simm.s32 $0x1  }
0x2: {  	[smem:$0x3F9C] =	sst lr;
	_ =	strace $0xD0000000  }
0x3: {  	_ = 	snop  }
0x4: {  	_ = 	snop  }
0x5: {  	_ = 	snop  }
0x6: {  	_ = 	snop  }
0x7: {  	_ = 	snop  }
__scs_overlays_trampoline_lowered:
0x8: {  	[smem:$0x3FAB] =	sst s0  }
0x9: {  	[smem:$0x3FAC] =	sst s1  }
0xa: {  	[smem:$0x3FAD] =	sst s2  }
0xb: {  	[smem:$0x3FAE] =	sst s3  }
0xc: {  	[smem:$0x3FAF] =	sst s4  }
0xd: {  	[smem:$0x3FB0] =	sst s5  }
0xe: {  	[smem:$0x3FB1] =	sst s6  }
0xf: {  	[smem:$0x3FB2] =	sst s7  }
0x10: {  	[smem:$0x3FB3] =	sst s8  }
0x11: {  	[smem:$0x3FB4] =	sst s9;
	s0 =	simm.s32 @!p0 $0x0  }
0x12: {  	s1 =	sld [smem:$0x3F9A];
	s0 =	simm.s32 @p0 $0x1  }
0x13: {  	[smem:$0x3FB5] =	sst s0;
	s0 =	simm.s32 @!p1 $0x0  }
0x14: {  	s2 =	sld [smem:$0x3F99];
	s0 =	simm.s32 @p1 $0x1  }
0x15: {  	[smem:$0x3FB6] =	sst s0;
	s0 =	simm.s32 @!p2 $0x0  }
0x16: {  	s3 =	sld [smem:$0x3FDB];
	s0 =	simm.s32 @p2 $0x1  }
0x17: {  	s4 =	simm.s32 $0x1BF5;
	[smem:$0x3FB8] =	sst s0  }
0x18: {  	s0 =	sld [smem:$0x3F9B];
	_ =	swait.ge [sflag:s4], $0x0  }
0x19: {  	s7 =	sld [smem:$0x3F9C]  }
0x1a: {  	s8 =	sadd.s32 $0xFFFFE003, lr  }
0x1b: {  	s9 =	sadd.s32 $0xFFFFFEF7, lr;
	s5 =	simm.s32 $0xFFFFFFFF;
	p2 =	slt.u32 s8, $0xFFFFF086  }
0x1c: {  	p1 =	slt.u32 s9, $0xF7A;
	s5 =	simm.s32 @!p2 $0x0  }
0x1d: {  	s5 =	simm.s32 @p1 $0x1;
	p0 =	seq.s32 s7, s2  }
0x1e: {  	s7 =	smul.u32 @!p0 $0xF7A, s2;
	p2 =	seq.s32 @!p0 s5, $0x0  }
0x1f: {  	s9 =	smul.u32 $0xF7A, s1;
	s8 =	simm.s32 @!p0 $0x1BF5;
	p2 =	por !p2, p0  }
0x20: {  	[sflag:s8] =	ssyncset.s32 @!p0 $0xFFFFF086;
	s6 =	sadd.s32 @!p0 s3, s7;
	s7 =	simm.s32 @!p0 $0x108  }
0x21: {  	s3 =	sadd.s32 s3, s9;
	s6 =	sadd.s32 @!p0 $0x88, s6;
	s7 =	simm.s32 @p2 $0x1082  }
0x22: {  	[simem:s7], [sflag:s8] =	dma.local @!p0 [hbm:s6], $0xF7A  }
0x23: {  	s9 =	sor.u32 $0xD0000000, s2;
	s6 =	simm.s32 $0x108;
	_ =	swait.ge @!p0 [sflag:s8], $0x0  }
0x24: {  	s3 =	sadd.s32 $0x88, s3;
	s6 =	simm.s32 @!p1 $0x1082;
	[sflag:s4] =	ssyncset.s32 $0xFFFFF086  }
0x25: {  	[simem:s6], [sflag:s4] =	dma.local [hbm:s3], $0xF7A  }
0x26: {  	[smem:$0x3F9C] =	sst s1;
	(tag) =	ssettag s2;
	_ =	strace s9  }
0x27: {  	s1 =	sld [smem:$0x3FAC]  }
0x28: {  	s2 =	sld [smem:$0x3FAD]  }
0x29: {  	s4 =	sld [smem:$0x3FAF]  }
0x2a: {  	p0 =	seq.s32 s5, $0x0;
	s5 =	sld [smem:$0x3FB0]  }
0x2b: {  	s6 =	sld [smem:$0x3FB1]  }
0x2c: {  	s7 =	sld [smem:$0x3FB2]  }
0x2d: {  	s3 =	simm.s32 $0x108;
	s8 =	sld [smem:$0x3FB3]  }
0x2e: {  	s3 =	simm.s32 @!p0 $0x1082;
	s9 =	sld [smem:$0x3FB4]  }
0x2f: {  	lr =	sadd.s32 s0, s3;
	s0 =	sld [smem:$0x3FAB]  }
0x30: {  	s3 =	sld [smem:$0x3FAE]  }
0x31: {  	[smem:$0x3FB7] =	sst s10  }
0x32: {  	s10 =	sld [smem:$0x3FB5];
	_ =	sdelay $0x3  }
0x33: {  	p0 =	seq.s32 s10, $0x1;
	s10 =	sld [smem:$0x3FB7];
	_ =	sdelay $0x3  }
0x34: {  	[smem:$0x3FB7] =	sst s10  }
0x35: {  	s10 =	sld [smem:$0x3FB6];
	_ =	sdelay $0x3  }
0x36: {  	p1 =	seq.s32 s10, $0x1;
	s10 =	sld [smem:$0x3FB7];
	_ =	sdelay $0x3  }
0x37: {  	[smem:$0x3FB7] =	sst s10  }
0x38: {  	s10 =	sld [smem:$0x3FB8]  }
0x39: {  	_ = 	snop;
	(pc) =	sbr.ind lr, $3  }
0x3a: {  	_ = 	snop  }
0x3b: {  	_ = 	snop  }
0x3c: {  	p2 =	seq.s32 s10, $0x1;
	s10 =	sld [smem:$0x3FB7]  }
0x3d: {  	_ =	shalt  }
0x3e: {  	_ =	shalt  }
0x3f: {  	_ =	shalt  }
0x40: {  	_ =	shalt  }
0x41: {  	_ =	shalt  }
0x42: {  	_ =	shalt  }
0x43: {  	_ =	shalt  }
0x44: {  	_ =	shalt  }
0x45: {  	_ =	shalt  }
0x46: {  	_ =	shalt  }
0x47: {  	_ =	shalt  }
0x48: {  	_ =	shalt  }
0x49: {  	_ =	shalt  }
0x4a: {  	_ =	shalt  }
0x4b: {  	_ =	shalt  }
0x4c: {  	_ =	shalt  }
0x4d: {  	_ =	shalt  }
0x4e: {  	_ =	shalt  }
0x4f: {  	_ =	shalt  }
0x50: {  	_ =	shalt  }
0x51: {  	_ =	shalt  }
0x52: {  	_ =	shalt  }
0x53: {  	_ =	shalt  }
0x54: {  	_ =	shalt  }
0x55: {  	_ =	shalt  }
0x56: {  	_ =	shalt  }
0x57: {  	_ =	shalt  }
0x58: {  	_ =	shalt  }
0x59: {  	_ =	shalt  }
0x5a: {  	_ =	shalt  }
0x5b: {  	_ =	shalt  }
0x5c: {  	_ =	shalt  }
0x5d: {  	_ =	shalt  }
0x5e: {  	_ =	shalt  }
0x5f: {  	_ =	shalt  }
0x60: {  	_ =	shalt  }
0x61: {  	_ =	shalt  }
0x62: {  	_ =	shalt  }
0x63: {  	_ =	shalt  }
0x64: {  	_ =	shalt  }
0x65: {  	_ =	shalt  }
0x66: {  	_ =	shalt  }
0x67: {  	_ =	shalt  }
0x68: {  	_ =	shalt  }
0x69: {  	_ =	shalt  }
0x6a: {  	_ =	shalt  }
0x6b: {  	_ =	shalt  }
0x6c: {  	_ =	shalt  }
0x6d: {  	_ =	shalt  }
0x6e: {  	_ =	shalt  }
0x6f: {  	_ =	shalt  }
0x70: {  	_ =	shalt  }
0x71: {  	_ =	shalt  }
0x72: {  	_ =	shalt  }
0x73: {  	_ =	shalt  }
0x74: {  	_ =	shalt  }
0x75: {  	_ =	shalt  }
0x76: {  	_ =	shalt  }
0x77: {  	_ =	shalt  }
0x78: {  	_ =	shalt  }
0x79: {  	_ =	shalt  }
0x7a: {  	_ =	shalt  }
0x7b: {  	_ =	shalt  }
0x7c: {  	_ =	shalt  }
0x7d: {  	_ =	shalt  }
0x7e: {  	_ =	shalt  }
0x7f: {  	_ =	shalt  }
0x80: {  	_ =	shalt  }
0x81: {  	_ =	shalt  }
0x82: {  	_ =	shalt  }
0x83: {  	_ =	shalt  }
0x84: {  	_ =	shalt  }
0x85: {  	_ =	shalt  }
0x86: {  	_ =	shalt  }
0x87: {  	_ =	shalt  }
.Lfunc_end0:
.L_simem_size_0:
called_computation_lowered:
.L_overlay_start_0:
0x88: {  	s2 =	sld [smem:$0x3FD9]  }
0x89: {  	s3 =	sld [smem:$0x3FFE];
	_ =	sdelay $0x1  }
0x8a: {  	s1 =	srdreg.scid  }
0x8b: {  	s0 =	sand.u32 $0x1, s1  }
0x8c: {  	s17 =	sshll.u32 s0, $0xA;
	s2 =	sadd.s32 s3, s2  }
0x8d: {  	s2 =	sadd.s32 s2, s17  }
0x8e: {  	[smem:$0x3FC3] =	sst s2  }
0x8f: {  	_ = 	snop  }
0x90: {  	s2 =	sld [smem:$0x3FC9]  }
0x91: {  	s18 =	sld [smem:$0x3FD0];
	(tm) =	ssettm $0x1  }
0x92: {  	s4 =	sld [smem:$0x3FFB];
	_ =	sdelay $0x3  }
0x93: {  	_ =	strace s4  }
0x94: {  	s4 =	sld [smem:$0x3FFC];
	_ =	sdelay $0x3  }
0x95: {  	_ =	strace s4  }
0x96: {  	s4 =	sld [smem:$0x3FFD];
	_ =	sdelay $0x3  }
0x97: {  	_ =	strace s4  }
0x98: {  	_ =	strace $0x8FFFFFFF  }
0x99: {  	s19 =	sld [smem:$0x3FDB];
	_ =	sdelay $0x1  }
0x9a: {  	s5 =	simm.s32 $_scs_section_size  }
0x9b: {  	s6 =	simm.s32 $_size__tile_overlayer_lowered;
	s7 =	simm.s32 $_tile_overlayer_lowered  }
0x9c: {  	s22 =	simm.s32 $0x1BFF;
	s21 =	sshll.u32 s7, $0x1;
	s4 =	sadd.s32 s5, s19  }
0x9d: {  	s8 =	simm.s32 $0x0;
	s20 =	sshll.u32 s6, $0x1;
	s6 =	sadd.s32 s21, s4  }
0x9e: {  	[timem:s8], [sflag:s22] =	dma.local [hbm:s6], s20  }
0x9f: {  	_ =	swait.ge [sflag:s22], s20  }
0xa0: {  	s5 =	ssub.s32 $0x0, s20;
	[sflag:s22] =	ssyncset.done $0x0  }
0xa1: {  	[sflag:s22] =	ssyncadd.s32 s5;
	_ =	sdelay $0x1  }
0xa2: {  	s23 =	simm.s32 $0x1B8B  }
0xa3: {  	_ =	swait.ge [sflag:s23], $0x1  }
0xa4: {  	[sflag:s23] =	ssyncset.done $0x0  }
0xa5: {  	s25 =	simm.s32 $0x1B8E;
	s24 =	sld [smem:$0x3FFE];
	[sflag:s23] =	ssyncadd.s32 $0xFFFFFFFF  }
0xa6: {  	s26 =	simm.s32 $execute0_lowered;
	[smem:$0x3FD2] =	sst s25  }
0xa7: {  	s6 =	sshll.u32 s26, $0x1;
	_ =	strace $0x80000046;
	[dreg:$0x1] =	wrdreg $0xFFFFFFFF  }
0xa8: {  	s28 =	simm.s32 $_size_execute0_lowered;
	s4 =	sadd.s32 s4, s6;
	[dreg:$0x0] =	wrdreg $0x0  }
0xa9: {  	s6 =	sshll.u32 s28, $0x1;
	[dreg:$0x2] =	wrdreg s4  }
0xaa: {  	[dreg:$0x3] =	wrdreg s6  }
0xab: {  	[dreg:$0x4] =	wrdreg $0xC0  }
0xac: {  	_ =	task [dreg:s8], $0x5FFFF  }
0xad: {  	[dreg:$0x1] =	wrdreg $0xFFFFFFFF  }
0xae: {  	[dreg:$0x0] =	wrdreg $0x60  }
0xaf: {  	[dreg:$0x2] =	wrdreg s2  }
0xb0: {  	[dreg:$0x3] =	wrdreg s18  }
0xb1: {  	[dreg:$0x4] =	wrdreg s24  }
0xb2: {  	[dreg:$0x5] =	wrdreg $0x0  }
0xb3: {  	[dreg:$0x6] =	wrdreg $0x9  }
0xb4: {  	_ =	task.clear_ibuf [dreg:s8], $0x7FFFF;
	_ =	strace $0x90000046  }
0xb5: {  	s29 =	simm.s32 $0x9;
	_ =	strace $0x80000048  }
0xb6: {  	_ =	swait.ge [sflag:s29], $0x1  }
0xb7: {  	[sflag:s29] =	ssyncadd.s32 $0xFFFFFFFF  }
0xb8: {  	_ =	strace $0x90000048  }
0xb9: {  	_ =	sfence  }
0xba: {  	s30 =	sld [smem:$0x0];
	_ =	sdelay $0x2  }
0xbb: {  	s31 =	sshll.u32 s1, $0xD;
	s1 =	sshrl.u32 s1, $0x2  }
0xbc: {  	s3 =	sand.u32 $0x4000, s31;
	s1 =	sadd.s32 s1, s30  }
0xbd: {  	s0 =	sor.u32 s3, s0;
	s1 =	sshll.u32 s1, $0x11  }
0xbe: {  	s0 =	sor.u32 s1, s0  }
0xbf: {  	s0 =	sadd.s32 $0x8F2B, s0  }
0xc0: {  	[sflag:s0] =	ssyncadd.remote.s32 $0x1  }
0xc1: {  	_ =	sfence.sel $0xFFFF  }
0xc2: {  	[dreg:$0x0] =	wrdreg $0xFFFFFFFF;
	(pc) =	sbr.abs _section_cstart, $3  }
0xc3: {  	[dreg:$0x1] =	wrdreg $0xFFFFFFFF  }
0xc4: {  	_ =	task.clear_ibuf [dreg:s8], $0x2FFFF;
	_ =	strace $0x9FFFFFFF  }
0xc5: {  	(tm) =	ssettm $0x7FFFFFFF  }
tec
execute0_lowered:
.L_overlay_start_1:
0x0: {  	(tag) =	ssettag $0x1  }
0x1: {  	s10 =	stileid.u32  }
0x2: {  	s4 =	srdreg.scid;
	s8 =	smul.u32 $0x14000, s10  }
0x3: {  	s1 =	rddreg [dreg:$0x0];
	s5 =	sand.u32 $0x1, s4;
	s17 =	smul.u32 $0x50000, s10  }
0x4: {  	s0 =	rddreg [dreg:$0x1];
	s24 =	smul.u32 $0x2710, s10;
	s7 =	sshll.u32 s5, $0x4  }
0x5: {  	s2 =	rddreg [dreg:$0x2];
	s29 =	smul.u32 $0x4E2, s10;
	s7 =	sor.u32 s10, s7  }
0x6: {  	s3 =	rddreg [dreg:$0x3];
	s4 =	simm.s32 $0x0;
	s7 =	smul.u32 $0x2710, s7  }
0x7: {  	s6 =	smul.u32 $0x140000, s5;
	[smem:$0x7FF] =	sst s4  }
0x8: {  	s15 =	ssub.s32 $0x2, s5;
	s22 =	smul.u32 $0x27100, s5;
	s7 =	sshrl.u32 s7, $0x3  }
0x9: {  	s5 =	smul.u32 $0x4E20, s5;
	_ =	strace $0x80000047;
	s11 =	sadd.s32 s0, s7  }
0xa: {  	s9 =	sshrl.u32 s15, $0x1;
	s7 =	sadd.s32 $0x9C40, s11;
	[dreg:$0xc] =	wrdreg s11  }
0xb: {  	s6 =	sadd.s32 s8, s6;
	s16 =	sadd.s32 $0xA, s11;
	[dreg:$0xd] =	wrdreg s7  }
0xc: {  	s5 =	sadd.s32 s5, s0;
	s18 =	sadd.s32 $0x9C4A, s11;
	[dreg:$0xe] =	wrdreg s16  }
0xd: {  	s6 =	sshrl.u32 s6, $0x3;
	s19 =	sadd.s32 $0x14, s11;
	[dreg:$0xf] =	wrdreg s18  }
0xe: {  	s2 =	sadd.s32 s6, s2;
	s20 =	sadd.s32 $0x9C54, s11;
	[dreg:$0x10] =	wrdreg s19  }
0xf: {  	s6 =	ssub.s32 s15, s9;
	s21 =	sadd.s32 $0x1E, s11;
	[dreg:$0x11] =	wrdreg s20  }
0x10: {  	s23 =	sadd.s32 $0x9C5E, s11;
	[dreg:$0x12] =	wrdreg s21;
	s7 =	sshrl.u32 s17, $0x2  }
0x11: {  	[dreg:$0x13] =	wrdreg s23;
	s23 =	sadd.s32 s29, s5;
	s29 =	sadd.s32 $0x32, s11  }
0x12: {  	s30 =	sadd.s32 s7, s3;
	s7 =	sadd.s32 s24, s22;
	[smem:$0x7FC] =	sst s29  }
0x13: {  	s24 =	sadd.s32 $0x28, s11;
	[dreg:$0xb] =	wrdreg s23;
	s25 =	sadd.s32 $0x2800, s30  }
0x14: {  	s26 =	sadd.s32 $0x5000, s30;
	s28 =	sadd.s32 $0x7800, s30;
	[dreg:$0x1c] =	wrdreg s24  }
0x15: {  	s31 =	sadd.s32 $0xA000, s30;
	s3 =	sadd.s32 $0x4E570, s7;
	[dreg:$0x14] =	wrdreg s30  }
0x16: {  	s9 =	sadd.s32 $0x4E520, s7;
	s10 =	sadd.s32 $0x4E4D0, s7;
	[dreg:$0x15] =	wrdreg s25  }
0x17: {  	s15 =	sadd.s32 $0x4E480, s7;
	s17 =	sadd.s32 $0x4E430, s7;
	[dreg:$0x16] =	wrdreg s26  }
0x18: {  	s18 =	sadd.s32 $0xC800, s30;
	s7 =	sadd.s32 $0x4E3E0, s7;
	[dreg:$0x17] =	wrdreg s28  }
0x19: {  	s20 =	sadd.s32 $0xF000, s30;
	s22 =	sadd.s32 $0x11800, s30;
	[dreg:$0x18] =	wrdreg s31  }
0x1a: {  	s24 =	simm.s32 $0x2;
	s8 =	sshrl.u32 s3, $0x3;
	[dreg:$0x19] =	wrdreg s18  }
0x1b: {  	s13 =	sshrl.u32 s10, $0x3;
	s16 =	sshrl.u32 s15, $0x3;
	[dreg:$0x1a] =	wrdreg s20  }
0x1c: {  	s21 =	sshrl.u32 s7, $0x3;
	[dreg:$0x1b] =	wrdreg s22;
	s25 =	sadd.s32 $0x9C68, s11  }
0x1d: {  	s26 =	sadd.s32 $0x1400, s2;
	s28 =	smax.u32 s6, $0x1;
	s31 =	sadd.s32 $0x9C72, s11  }
0x1e: {  	s2 =	simm.s32 $0x14000;
	s6 =	simm.s32 $0x14400;
	s7 =	simm.s32 $0x14080  }
0x1f: {  	s18 =	simm.s32 $0x14580;
	s10 =	simm.s32 $0x50;
	[dreg:$0x1d] =	wrdreg s25  }
0x20: {  	s15 =	simm.s32 $0x8;
	s20 =	simm.s32 $0x9;
	[dreg:$0x1e] =	wrdreg s26  }
0x21: {  	s3 =	simm.s32 $0x0;
	s5 =	sadd.s32 s8, s0;
	[dreg:$0x1f] =	wrdreg s28  }
0x22: {  	s8 =	sshrl.u32 s9, $0x3;
	s14 =	sadd.s32 s13, s0;
	[smem:$0x7FD] =	sst s31  }
0x23: {  	s9 =	simm.s32 $0x7;
	s25 =	simm.s32 $0x4;
	s13 =	simm.s32 $0x5  }
0x24: {  	s26 =	simm.s32 $0xC;
	[dreg:$0x5] =	wrdreg s5;
	s12 =	sadd.s32 s8, s0  }
0x25: {  	[dreg:$0x7] =	wrdreg s14;
	s5 =	sadd.s32 s16, s0;
	s8 =	sshrl.u32 s17, $0x3  }
0x26: {  	s16 =	simm.s32 $0x14100;
	s17 =	simm.s32 $0x14500;
	[dreg:$0x6] =	wrdreg s12  }
0x27: {  	[dreg:$0x8] =	wrdreg s5;
	s19 =	sadd.s32 s8, s0;
	s0 =	sadd.s32 s21, s0  }
0x28: {  	s8 =	simm.s32 $0x14480;
	s12 =	simm.s32 $0x14180;
	[dreg:$0x9] =	wrdreg s19  }
0x29: {  	v0 =	vimm.f32 $0.0e+00;
	s21 =	simm.s32 $0x14800;
	[dreg:$0xa] =	wrdreg s0;
	s19 =	simm.s32 $0x1  }
.LBB2_1:
0x2a: {  	[smem:$0x7FB] =	sst s3  }
0x2b: {  	s0 =	rddreg [dreg:$0xc]  }
0x2c: {  	[tilespmem:s2], [sflag:$0x7] =	stream.linear.gather [hbm4b:s0+s4], $0x50, $0x38;
	[tilespmem:$0x1C000] =	vst v63  }
0x2d: {  	s5 =	rddreg [dreg:$0xd]  }
0x2e: {  	[tilespmem:s6], [sflag:$0x7] =	stream.linear.gather [hbm4b:s5+s4], $0x50, $0x38;
	[tilespmem:$0x1C000] =	vst v63  }
0x2f: {  	s11 =	rddreg [dreg:$0xe]  }
0x30: {  	[tilespmem:s7], [sflag:$0x8] =	stream.linear.gather [hbm4b:s11+s4], $0x50, $0x38;
	[tilespmem:$0x1C000] =	vst v63  }
0x31: {  	s14 =	rddreg [dreg:$0xf]  }
0x32: {  	[tilespmem:s8], [sflag:$0x8] =	stream.linear.gather [hbm4b:s14+s4], $0x50, $0x38;
	[tilespmem:$0x1C000] =	vst v63  }
0x33: {  	s22 =	rddreg [dreg:$0x10]  }
0x34: {  	[tilespmem:s16], [sflag:$0x9] =	stream.linear.gather [hbm4b:s22+s4], $0x50, $0x38;
	[tilespmem:$0x1C000] =	vst v63  }
0x35: {  	s23 =	rddreg [dreg:$0x11]  }
0x36: {  	[tilespmem:s17], [sflag:$0x9] =	stream.linear.gather [hbm4b:s23+s4], $0x50, $0x38;
	[tilespmem:$0x1C000] =	vst v63  }
0x37: {  	s28 =	rddreg [dreg:$0x12]  }
0x38: {  	[tilespmem:s12], [sflag:$0xA] =	stream.linear.gather [hbm4b:s28+s4], $0x50, $0x38;
	[tilespmem:$0x1C000] =	vst v63  }
0x39: {  	s31 =	rddreg [dreg:$0x13]  }
0x3a: {  	[tilespmem:s18], [sflag:$0xA] =	stream.linear.gather [hbm4b:s31+s4], $0x50, $0x38;
	[tilespmem:$0x1C000] =	vst v63  }
0x3b: {  	_ =	swait.ge [sflag:s9], $0x50  }
0x3c: {  	[sflag:s9] =	ssyncset.done $0x0  }
0x3d: {  	[sflag:s9] =	ssyncadd.s32 $0xFFFFFFB0  }
0x3e: {  	_ =	swait.ge [sflag:s9], $0x50  }
0x3f: {  	s29 =	simm.s32 $0x200;
	[sflag:s9] =	ssyncset.done $0x0  }
0x40: {  	s11 =	smov.u32 s1;
	s23 =	simm.s32 $0x0;
	[sflag:s9] =	ssyncadd.s32 $0xFFFFFFB0  }
0x41: {  	[tilespmem:s21], [sflag:$0x1] =	stream.indirect.gather [hbm4b:s1+s10], $0x80, s2, s10, $0xb8;
	[tilespmem:$0x1C000] =	vst v63  }
.LBB2_2:
0x42: {  	p0 =	sne.s32 s29, $0x9E00;
	[tilespmem:s23+$0x17070] =	vst v0  }
0x43: {  	[tilespmem:s23+$0x17000] =	vst v0  }
0x44: {  	[tilespmem:s23+$0x17010] =	vst v0  }
.Ltmp0:
0x45: {  	[tilespmem:s23+$0x17020] =	vst v0;
	(pc) =	sbr.rel @p0 .LBB2_2-.Ltmp0, $4  }
0x46: {  	[tilespmem:s23+$0x17030] =	vst v0  }
0x47: {  	[tilespmem:s23+$0x17040] =	vst v0  }
0x48: {  	[tilespmem:s23+$0x17050] =	vst v0  }
0x49: {  	[tilespmem:s23+$0x17060] =	vst v0;
	s23 =	sshra.s32 s29, $0x2;
	s29 =	sadd.s32 $0x200, s29  }
0x4a: {  	[tilespmem:s23+$0x17070] =	vst v0  }
0x4b: {  	[tilespmem:s23+$0x17000] =	vst v0  }
0x4c: {  	[tilespmem:s23+$0x17010] =	vst v0  }
0x4d: {  	[tilespmem:s23+$0x17020] =	vst v0  }
0x4e: {  	[tilespmem:s23+$0x17030] =	vst v0  }
0x4f: {  	[tilespmem:s23+$0x17040] =	vst v0  }
0x50: {  	[tilespmem:s23+$0x17050] =	vst v0  }
0x51: {  	[tilespmem:s23+$0x17060] =	vst v0;
	s31 =	simm.s32 $0x17000;
	s28 =	simm.s32 $0xD  }
0x52: {  	[spmem:s30] =	stream.linear.scatter [tilespmem:s31], [sflag:$0xD], $0x2800, $0x38;
	[tilespmem:$0x1C000] =	vst v63  }
0x53: {  	_ =	swait.ge [sflag:s28], $0x2800  }
0x54: {  	[sflag:s28] =	ssyncset.done $0x0  }
0x55: {  	s0 =	rddreg [dreg:$0x15];
	[sflag:s28] =	ssyncadd.s32 $0xFFFFD800  }
0x56: {  	[spmem:s0] =	stream.linear.scatter [tilespmem:s31], [sflag:$0xD], $0x2800, $0x38;
	[tilespmem:$0x1C000] =	vst v63  }
0x57: {  	_ =	swait.ge [sflag:s28], $0x2800  }
0x58: {  	[sflag:s28] =	ssyncset.done $0x0  }
0x59: {  	s29 =	rddreg [dreg:$0x16];
	[sflag:s28] =	ssyncadd.s32 $0xFFFFD800  }
0x5a: {  	[spmem:s29] =	stream.linear.scatter [tilespmem:s31], [sflag:$0xD], $0x2800, $0x38;
	[tilespmem:$0x1C000] =	vst v63  }
0x5b: {  	_ =	swait.ge [sflag:s28], $0x2800  }
0x5c: {  	[sflag:s28] =	ssyncset.done $0x0  }
0x5d: {  	s30 =	rddreg [dreg:$0x17];
	[sflag:s28] =	ssyncadd.s32 $0xFFFFD800  }
0x5e: {  	[spmem:s30] =	stream.linear.scatter [tilespmem:s31], [sflag:$0xD], $0x2800, $0x38;
	[tilespmem:$0x1C000] =	vst v63  }
0x5f: {  	_ =	swait.ge [sflag:s28], $0x2800  }
0x60: {  	[sflag:s28] =	ssyncset.done $0x0  }
0x61: {  	s1 =	rddreg [dreg:$0x18];
	[sflag:s28] =	ssyncadd.s32 $0xFFFFD800  }
0x62: {  	[spmem:s1] =	stream.linear.scatter [tilespmem:s31], [sflag:$0xD], $0x2800, $0x38;
	[tilespmem:$0x1C000] =	vst v63  }
0x63: {  	_ =	swait.ge [sflag:s28], $0x2800  }
0x64: {  	[sflag:s28] =	ssyncset.done $0x0  }
0x65: {  	s3 =	rddreg [dreg:$0x19];
	[sflag:s28] =	ssyncadd.s32 $0xFFFFD800  }
0x66: {  	[spmem:s3] =	stream.linear.scatter [tilespmem:s31], [sflag:$0xD], $0x2800, $0x38;
	[tilespmem:$0x1C000] =	vst v63  }
0x67: {  	_ =	swait.ge [sflag:s28], $0x2800  }
0x68: {  	[sflag:s28] =	ssyncset.done $0x0  }
0x69: {  	s5 =	rddreg [dreg:$0x1a];
	[sflag:s28] =	ssyncadd.s32 $0xFFFFD800  }
0x6a: {  	[spmem:s5] =	stream.linear.scatter [tilespmem:s31], [sflag:$0xD], $0x2800, $0x38;
	[tilespmem:$0x1C000] =	vst v63  }
0x6b: {  	_ =	swait.ge [sflag:s28], $0x2800  }
0x6c: {  	[sflag:s28] =	ssyncset.done $0x0  }
0x6d: {  	s14 =	rddreg [dreg:$0x1b];
	[sflag:s28] =	ssyncadd.s32 $0xFFFFD800  }
0x6e: {  	[spmem:s14] =	stream.linear.scatter [tilespmem:s31], [sflag:$0xD], $0x2800, $0x38;
	[tilespmem:$0x1C000] =	vst v63  }
0x6f: {  	_ =	swait.ge [sflag:s28], $0x2800  }
0x70: {  	[sflag:s28] =	ssyncset.done $0x0  }
0x71: {  	[sflag:s28] =	ssyncadd.s32 $0xFFFFD800  }
0x72: {  	[bflag:$0x0] =	sbarrier.arrive $0xFFFF  }
0x73: {  	_ =	swait.ge [sflag:s15], $0x50  }
0x74: {  	[sflag:s15] =	ssyncset.done $0x0  }
0x75: {  	[sflag:s15] =	ssyncadd.s32 $0xFFFFFFB0  }
0x76: {  	_ =	swait.ge [sflag:s15], $0x50  }
0x77: {  	[sflag:s15] =	ssyncset.done $0x0  }
0x78: {  	[sflag:s15] =	ssyncadd.s32 $0xFFFFFFB0  }
0x79: {  	[tilespmem:s31], [sflag:$0x2] =	stream.indirect.gather [hbm4b:s11+s10], $0x80, s7, s10, $0xb8;
	[tilespmem:$0x1C000] =	vst v63  }
0x7a: {  	s23 =	simm.s32 $0x0;
	s28 =	simm.s32 $0x14200;
	s22 =	rddreg [dreg:$0x1c]  }
0x7b: {  	[tilespmem:s28], [sflag:$0xB] =	stream.linear.gather [hbm4b:s22+s23], $0x50, $0x38;
	[tilespmem:$0x1C000] =	vst v63  }
0x7c: {  	s29 =	rddreg [dreg:$0x1d];
	s22 =	simm.s32 $0x14600  }
0x7d: {  	[tilespmem:s22], [sflag:$0xB] =	stream.linear.gather [hbm4b:s29+s23], $0x50, $0x38;
	[tilespmem:$0x1C000] =	vst v63  }
0x7e: {  	_ =	swait.ge [sflag:s19], $0x2800  }
0x7f: {  	[sflag:s19] =	ssyncset.done $0x0  }
0x80: {  	[sflag:s19] =	ssyncadd.s32 $0xFFFFD800  }
0x81: {  	s1 =	rddreg [dreg:$0x3]  }
0x82: {  	[spmem:s1] =	stream.indirect.scatter.add.f32 [tilespmem:s21], [sflag:$0x4], $0x80, s6, s10, $0xb8;
	[tilespmem:$0x1C000] =	vst v63  }
0x83: {  	_ =	swait.ge [sflag:s20], $0x50  }
0x84: {  	[sflag:s20] =	ssyncset.done $0x0  }
0x85: {  	[sflag:s20] =	ssyncadd.s32 $0xFFFFFFB0  }
0x86: {  	_ =	swait.ge [sflag:s20], $0x50  }
0x87: {  	[sflag:s20] =	ssyncset.done $0x0  }
0x88: {  	s3 =	simm.s32 $0x19800;
	s30 =	sld [smem:$0x7FC];
	[sflag:s20] =	ssyncadd.s32 $0xFFFFFFB0  }
0x89: {  	[tilespmem:s3], [sflag:$0x3] =	stream.indirect.gather [hbm4b:s11+s10], $0x80, s16, s10, $0xb8;
	[tilespmem:$0x1C000] =	vst v63  }
0x8a: {  	s5 =	simm.s32 $0x14280;
	s14 =	sld [smem:$0x7FD]  }
0x8b: {  	[tilespmem:s5], [sflag:$0xC] =	stream.linear.gather [hbm4b:s30+s23], $0x50, $0x38;
	[tilespmem:$0x1C000] =	vst v63  }
0x8c: {  	s29 =	simm.s32 $0x14680  }
0x8d: {  	[tilespmem:s29], [sflag:$0xC] =	stream.linear.gather [hbm4b:s14+s23], $0x50, $0x38;
	[tilespmem:$0x1C000] =	vst v63  }
0x8e: {  	_ =	swait.ge [sflag:s24], $0x2800  }
0x8f: {  	[sflag:s24] =	ssyncset.done $0x0  }
0x90: {  	[sflag:s24] =	ssyncadd.s32 $0xFFFFD800  }
0x91: {  	[spmem:s1] =	stream.indirect.scatter.add.f32 [tilespmem:s31], [sflag:$0x5], $0x80, s8, s10, $0xb8;
	[tilespmem:$0x1C000] =	vst v63  }
0x92: {  	_ =	swait.ge [sflag:s25], $0x2800  }
0x93: {  	[sflag:s25] =	ssyncset.done $0x0  }
0x94: {  	s30 =	simm.s32 $0xA;
	[sflag:s25] =	ssyncadd.s32 $0xFFFFD800  }
0x95: {  	_ =	swait.ge [sflag:s30], $0x50  }
0x96: {  	[sflag:s30] =	ssyncset.done $0x0  }
0x97: {  	[sflag:s30] =	ssyncadd.s32 $0xFFFFFFB0  }
0x98: {  	_ =	swait.ge [sflag:s30], $0x50  }
0x99: {  	[sflag:s30] =	ssyncset.done $0x0;
	s0 =	rddreg [dreg:$0xb]  }
0x9a: {  	[sflag:s30] =	ssyncadd.s32 $0xFFFFFFB0;
	s23 =	sadd.s32 $0x0, s0  }
0x9b: {  	[tilespmem:s21], [sflag:$0x1] =	stream.indirect.gather [hbm4b:s11+s10], $0x80, s12, s10, $0xb8;
	[tilespmem:$0x1C000] =	vst v63  }
0x9c: {  	s29 =	rddreg [dreg:$0xa];
	s5 =	sadd.s32 $0x3C, s23  }
0x9d: {  	[tilespmem:s2], [sflag:$0x7] =	stream.linear.gather [hbm4b:s5+s4], $0x50, $0x38;
	[tilespmem:$0x1C000] =	vst v63  }
0x9e: {  	s29 =	sadd.s32 $0x0, s29;
	s5 =	simm.s32 $0x3  }
0x9f: {  	[tilespmem:s6], [sflag:$0x7] =	stream.linear.gather [hbm4b:s29+s4], $0x50, $0x38;
	[tilespmem:$0x1C000] =	vst v63  }
0xa0: {  	_ =	swait.ge [sflag:s5], $0x2800  }
0xa1: {  	[sflag:s5] =	ssyncset.done $0x0  }
0xa2: {  	[sflag:s5] =	ssyncadd.s32 $0xFFFFD800  }
0xa3: {  	[spmem:s1] =	stream.indirect.scatter.add.f32 [tilespmem:s3], [sflag:$0x6], $0x80, s17, s10, $0xb8;
	[tilespmem:$0x1C000] =	vst v63  }
0xa4: {  	_ =	swait.ge [sflag:s13], $0x2800  }
0xa5: {  	[sflag:s13] =	ssyncset.done $0x0  }
0xa6: {  	s14 =	simm.s32 $0xB;
	[sflag:s13] =	ssyncadd.s32 $0xFFFFD800  }
0xa7: {  	_ =	swait.ge [sflag:s14], $0x50  }
0xa8: {  	[sflag:s14] =	ssyncset.done $0x0  }
0xa9: {  	[sflag:s14] =	ssyncadd.s32 $0xFFFFFFB0  }
0xaa: {  	_ =	swait.ge [sflag:s14], $0x50  }
0xab: {  	[sflag:s14] =	ssyncset.done $0x0  }
0xac: {  	[sflag:s14] =	ssyncadd.s32 $0xFFFFFFB0  }
0xad: {  	[tilespmem:s31], [sflag:$0x2] =	stream.indirect.gather [hbm4b:s11+s10], $0x80, s28, s10, $0xb8;
	[tilespmem:$0x1C000] =	vst v63  }
0xae: {  	s29 =	rddreg [dreg:$0x9];
	s14 =	sadd.s32 $0x46, s23  }
0xaf: {  	[tilespmem:s7], [sflag:$0x8] =	stream.linear.gather [hbm4b:s14+s4], $0x50, $0x38;
	[tilespmem:$0x1C000] =	vst v63  }
0xb0: {  	s29 =	sadd.s32 $0x0, s29  }
0xb1: {  	[tilespmem:s8], [sflag:$0x8] =	stream.linear.gather [hbm4b:s29+s4], $0x50, $0x38;
	[tilespmem:$0x1C000] =	vst v63  }
0xb2: {  	_ =	swait.ge [sflag:s19], $0x2800  }
0xb3: {  	[sflag:s19] =	ssyncset.done $0x0  }
0xb4: {  	s8 =	simm.s32 $0x6;
	[sflag:s19] =	ssyncadd.s32 $0xFFFFD800  }
0xb5: {  	[spmem:s1] =	stream.indirect.scatter.add.f32 [tilespmem:s21], [sflag:$0x4], $0x80, s18, s10, $0xb8;
	[tilespmem:$0x1C000] =	vst v63  }
0xb6: {  	_ =	swait.ge [sflag:s8], $0x2800  }
0xb7: {  	[sflag:s8] =	ssyncset.done $0x0  }
0xb8: {  	[sflag:s8] =	ssyncadd.s32 $0xFFFFD800  }
0xb9: {  	_ =	swait.ge [sflag:s26], $0x50  }
0xba: {  	[sflag:s26] =	ssyncset.done $0x0  }
0xbb: {  	[sflag:s26] =	ssyncadd.s32 $0xFFFFFFB0  }
0xbc: {  	_ =	swait.ge [sflag:s26], $0x50  }
0xbd: {  	[sflag:s26] =	ssyncset.done $0x0  }
0xbe: {  	s30 =	simm.s32 $0x14280;
	[sflag:s26] =	ssyncadd.s32 $0xFFFFFFB0  }
0xbf: {  	[tilespmem:s3], [sflag:$0x3] =	stream.indirect.gather [hbm4b:s11+s10], $0x80, s30, s10, $0xb8;
	[tilespmem:$0x1C000] =	vst v63  }
0xc0: {  	s14 =	sadd.s32 $0x50, s23;
	s26 =	rddreg [dreg:$0x8]  }
0xc1: {  	[tilespmem:s16], [sflag:$0x9] =	stream.linear.gather [hbm4b:s14+s4], $0x50, $0x38;
	[tilespmem:$0x1C000] =	vst v63  }
0xc2: {  	s29 =	sadd.s32 $0x0, s26  }
0xc3: {  	[tilespmem:s17], [sflag:$0x9] =	stream.linear.gather [hbm4b:s29+s4], $0x50, $0x38;
	[tilespmem:$0x1C000] =	vst v63  }
0xc4: {  	_ =	swait.ge [sflag:s24], $0x2800  }
0xc5: {  	[sflag:s24] =	ssyncset.done $0x0  }
0xc6: {  	[sflag:s24] =	ssyncadd.s32 $0xFFFFD800  }
0xc7: {  	[spmem:s1] =	stream.indirect.scatter.add.f32 [tilespmem:s31], [sflag:$0x5], $0x80, s22, s10, $0xb8;
	[tilespmem:$0x1C000] =	vst v63  }
0xc8: {  	_ =	swait.ge [sflag:s25], $0x2800  }
0xc9: {  	[sflag:s25] =	ssyncset.done $0x0  }
0xca: {  	[sflag:s25] =	ssyncadd.s32 $0xFFFFD800  }
0xcb: {  	_ =	swait.ge [sflag:s9], $0x50  }
0xcc: {  	[sflag:s9] =	ssyncset.done $0x0  }
0xcd: {  	[sflag:s9] =	ssyncadd.s32 $0xFFFFFFB0  }
0xce: {  	_ =	swait.ge [sflag:s9], $0x50  }
0xcf: {  	[sflag:s9] =	ssyncset.done $0x0  }
0xd0: {  	[sflag:s9] =	ssyncadd.s32 $0xFFFFFFB0  }
0xd1: {  	[tilespmem:s21], [sflag:$0x1] =	stream.indirect.gather [hbm4b:s11+s10], $0x80, s2, s10, $0xb8;
	[tilespmem:$0x1C000] =	vst v63  }
0xd2: {  	s26 =	sadd.s32 $0x5A, s23;
	s25 =	rddreg [dreg:$0x7]  }
0xd3: {  	[tilespmem:s12], [sflag:$0xA] =	stream.linear.gather [hbm4b:s26+s4], $0x50, $0x38;
	[tilespmem:$0x1C000] =	vst v63  }
0xd4: {  	s29 =	sadd.s32 $0x0, s25  }
0xd5: {  	[tilespmem:s18], [sflag:$0xA] =	stream.linear.gather [hbm4b:s29+s4], $0x50, $0x38;
	[tilespmem:$0x1C000] =	vst v63  }
0xd6: {  	_ =	swait.ge [sflag:s5], $0x2800  }
0xd7: {  	[sflag:s5] =	ssyncset.done $0x0  }
0xd8: {  	s29 =	simm.s32 $0x14680;
	[sflag:s5] =	ssyncadd.s32 $0xFFFFD800  }
0xd9: {  	[spmem:s1] =	stream.indirect.scatter.add.f32 [tilespmem:s3], [sflag:$0x6], $0x80, s29, s10, $0xb8;
	[tilespmem:$0x1C000] =	vst v63  }
0xda: {  	_ =	swait.ge [sflag:s13], $0x2800  }
0xdb: {  	[sflag:s13] =	ssyncset.done $0x0  }
0xdc: {  	[sflag:s13] =	ssyncadd.s32 $0xFFFFD800  }
0xdd: {  	_ =	swait.ge [sflag:s15], $0x50  }
0xde: {  	[sflag:s15] =	ssyncset.done $0x0  }
0xdf: {  	[sflag:s15] =	ssyncadd.s32 $0xFFFFFFB0  }
0xe0: {  	_ =	swait.ge [sflag:s15], $0x50  }
0xe1: {  	[sflag:s15] =	ssyncset.done $0x0  }
0xe2: {  	s2 =	simm.s32 $0x17000;
	[sflag:s15] =	ssyncadd.s32 $0xFFFFFFB0  }
0xe3: {  	[tilespmem:s2], [sflag:$0x2] =	stream.indirect.gather [hbm4b:s11+s10], $0x80, s7, s10, $0xb8;
	[tilespmem:$0x1C000] =	vst v63  }
0xe4: {  	s23 =	sadd.s32 $0x64, s23;
	s30 =	rddreg [dreg:$0x6]  }
0xe5: {  	[tilespmem:s28], [sflag:$0xB] =	stream.linear.gather [hbm4b:s23+s4], $0x50, $0x38;
	[tilespmem:$0x1C000] =	vst v63  }
0xe6: {  	s31 =	sadd.s32 $0x0, s30  }
0xe7: {  	[tilespmem:s22], [sflag:$0xB] =	stream.linear.gather [hbm4b:s31+s4], $0x50, $0x38;
	[tilespmem:$0x1C000] =	vst v63  }
0xe8: {  	_ =	swait.ge [sflag:s19], $0x2800  }
0xe9: {  	[sflag:s19] =	ssyncset.done $0x0  }
0xea: {  	[sflag:s19] =	ssyncadd.s32 $0xFFFFD800  }
0xeb: {  	[spmem:s1] =	stream.indirect.scatter.add.f32 [tilespmem:s21], [sflag:$0x4], $0x80, s6, s10, $0xb8;
	[tilespmem:$0x1C000] =	vst v63  }
0xec: {  	_ =	swait.ge [sflag:s8], $0x2800  }
0xed: {  	[sflag:s8] =	ssyncset.done $0x0  }
0xee: {  	[sflag:s8] =	ssyncadd.s32 $0xFFFFD800  }
0xef: {  	_ =	swait.ge [sflag:s20], $0x50  }
0xf0: {  	[sflag:s20] =	ssyncset.done $0x0  }
0xf1: {  	[sflag:s20] =	ssyncadd.s32 $0xFFFFFFB0  }
0xf2: {  	_ =	swait.ge [sflag:s20], $0x50  }
0xf3: {  	p0 =	por $0x0, $0x0;
	s14 =	simm.s32 $0x0;
	[sflag:s20] =	ssyncset.done $0x0  }
0xf4: {  	s29 =	sadd.s32 @!p0 $0x0, s0;
	s0 =	simm.s32 @!p0 $0x14280;
	[sflag:s20] =	ssyncadd.s32 $0xFFFFFFB0  }
0xf5: {  	[tilespmem:s3], [sflag:$0x3] =	stream.indirect.gather [hbm4b:s11+s10], $0x80, s16, s10, $0xb8;
	[tilespmem:$0x1C000] =	vst v63  }
0xf6: {  	s29 =	sadd.s32 @!p0 $0x6E, s29;
	s30 =	simm.s32 @!p0 $0x0;
	s23 =	rddreg [dreg:$0x5]  }
0xf7: {  	[tilespmem:s0], [sflag:$0xC] =	stream.linear.gather @!p0 [hbm4b:s29+s30], $0x50, $0x38;
	[tilespmem:$0x1C000] =	vst v63  }
0xf8: {  	s18 =	simm.s32 $0xC;
	s23 =	sadd.s32 @!p0 $0x0, s23;
	s29 =	simm.s32 @!p0 $0x14680  }
0xf9: {  	[tilespmem:s29], [sflag:$0xC] =	stream.linear.gather @!p0 [hbm4b:s23+s30], $0x50, $0x38;
	[tilespmem:$0x1C000] =	vst v63  }
0xfa: {  	s15 =	simm.s32 $0x7;
	s19 =	simm.s32 $0x8;
	_ =	swait.ge [sflag:s24], $0x2800  }
0xfb: {  	s23 =	simm.s32 $0x3C;
	[sflag:s24] =	ssyncset.done $0x0;
	s24 =	simm.s32 $0x9  }
.LBB2_4:
0xfc: {  	s20 =	simm.s32 $0x2  }
0xfd: {  	s3 =	simm.s32 $0x14480;
	s25 =	simm.s32 $0x4;
	[sflag:s20] =	ssyncadd.s32 $0xFFFFD800  }
0xfe: {  	[spmem:s1] =	stream.indirect.scatter.add.f32 [tilespmem:s2], [sflag:$0x5], $0x80, s3, s10, $0xb8;
	[tilespmem:$0x1C000] =	vst v63  }
0xff: {  	_ =	swait.ge [sflag:s25], $0x2800  }
0x100: {  	[sflag:s25] =	ssyncset.done $0x0  }
0x101: {  	s0 =	simm.s32 $0xA;
	[sflag:s25] =	ssyncadd.s32 $0xFFFFD800  }
0x102: {  	_ =	swait.ge [sflag:s0], $0x50  }
0x103: {  	[sflag:s0] =	ssyncset.done $0x0  }
0x104: {  	[sflag:s0] =	ssyncadd.s32 $0xFFFFFFB0  }
0x105: {  	s29 =	smov.u32 s23;
	_ =	swait.ge [sflag:s0], $0x50  }
0x106: {  	s28 =	simm.s32 $0x14800;
	[sflag:s0] =	ssyncset.done $0x0;
	s21 =	rddreg [dreg:$0xb]  }
0x107: {  	s1 =	simm.s32 $0x14180;
	[sflag:s0] =	ssyncadd.s32 $0xFFFFFFB0;
	s30 =	sadd.s32 s29, s21  }
0x108: {  	[tilespmem:s28], [sflag:$0x1] =	stream.indirect.gather [hbm4b:s11+s10], $0x80, s1, s10, $0xb8;
	[tilespmem:$0x1C000] =	vst v63  }
0x109: {  	s13 =	simm.s32 $0x14000;
	s31 =	rddreg [dreg:$0xa];
	s8 =	sadd.s32 $0x3C, s30  }
0x10a: {  	[tilespmem:s13], [sflag:$0x7] =	stream.linear.gather [hbm4b:s8+s14], $0x50, $0x38;
	[tilespmem:$0x1C000] =	vst v63  }
0x10b: {  	s4 =	simm.s32 $0x14400;
	s9 =	sadd.s32 s29, s31  }
0x10c: {  	[tilespmem:s4], [sflag:$0x7] =	stream.linear.gather [hbm4b:s9+s14], $0x50, $0x38;
	[tilespmem:$0x1C000] =	vst v63  }
0x10d: {  	s4 =	simm.s32 $0x3  }
0x10e: {  	_ =	swait.ge [sflag:s4], $0x2800  }
0x10f: {  	[sflag:s4] =	ssyncset.done $0x0  }
0x110: {  	s6 =	simm.s32 $0x14500;
	[sflag:s4] =	ssyncadd.s32 $0xFFFFD800  }
0x111: {  	s26 =	simm.s32 $0x5;
	s9 =	simm.s32 $0x19800;
	s12 =	rddreg [dreg:$0x3]  }
0x112: {  	[spmem:s12] =	stream.indirect.scatter.add.f32 [tilespmem:s9], [sflag:$0x6], $0x80, s6, s10, $0xb8;
	[tilespmem:$0x1C000] =	vst v63  }
0x113: {  	_ =	swait.ge [sflag:s26], $0x2800  }
0x114: {  	[sflag:s26] =	ssyncset.done $0x0  }
0x115: {  	s16 =	simm.s32 $0xB;
	[sflag:s26] =	ssyncadd.s32 $0xFFFFD800  }
0x116: {  	_ =	swait.ge [sflag:s16], $0x50  }
0x117: {  	[sflag:s16] =	ssyncset.done $0x0  }
0x118: {  	[sflag:s16] =	ssyncadd.s32 $0xFFFFFFB0  }
0x119: {  	_ =	swait.ge [sflag:s16], $0x50  }
0x11a: {  	[sflag:s16] =	ssyncset.done $0x0  }
0x11b: {  	s12 =	simm.s32 $0x14200;
	[sflag:s16] =	ssyncadd.s32 $0xFFFFFFB0  }
0x11c: {  	[tilespmem:s2], [sflag:$0x2] =	stream.indirect.gather [hbm4b:s11+s10], $0x80, s12, s10, $0xb8;
	[tilespmem:$0x1C000] =	vst v63  }
0x11d: {  	s22 =	simm.s32 $0x14080;
	s5 =	sadd.s32 $0x46, s30;
	s17 =	rddreg [dreg:$0x9]  }
0x11e: {  	[tilespmem:s22], [sflag:$0x8] =	stream.linear.gather [hbm4b:s5+s14], $0x50, $0x38;
	[tilespmem:$0x1C000] =	vst v63  }
0x11f: {  	s0 =	sadd.s32 s29, s17;
	s10 =	simm.s32 $0x1  }
0x120: {  	[tilespmem:s3], [sflag:$0x8] =	stream.linear.gather [hbm4b:s0+s14], $0x50, $0x38;
	[tilespmem:$0x1C000] =	vst v63  }
0x121: {  	_ =	swait.ge [sflag:s10], $0x2800  }
0x122: {  	[sflag:s10] =	ssyncset.done $0x0  }
0x123: {  	s8 =	simm.s32 $0x14580;
	[sflag:s10] =	ssyncadd.s32 $0xFFFFD800  }
0x124: {  	s17 =	simm.s32 $0x6;
	s3 =	simm.s32 $0x50;
	s7 =	rddreg [dreg:$0x3]  }
0x125: {  	[spmem:s7] =	stream.indirect.scatter.add.f32 [tilespmem:s28], [sflag:$0x4], $0x80, s8, s3, $0xb8;
	[tilespmem:$0x1C000] =	vst v63  }
0x126: {  	_ =	swait.ge [sflag:s17], $0x2800  }
0x127: {  	[sflag:s17] =	ssyncset.done $0x0  }
0x128: {  	[sflag:s17] =	ssyncadd.s32 $0xFFFFD800  }
0x129: {  	_ =	swait.ge [sflag:s18], $0x50  }
0x12a: {  	[sflag:s18] =	ssyncset.done $0x0  }
0x12b: {  	[sflag:s18] =	ssyncadd.s32 $0xFFFFFFB0  }
0x12c: {  	_ =	swait.ge [sflag:s18], $0x50  }
0x12d: {  	[sflag:s18] =	ssyncset.done $0x0  }
0x12e: {  	s7 =	simm.s32 $0x14280;
	[sflag:s18] =	ssyncadd.s32 $0xFFFFFFB0  }
0x12f: {  	[tilespmem:s9], [sflag:$0x3] =	stream.indirect.gather [hbm4b:s11+s3], $0x80, s7, s3, $0xb8;
	[tilespmem:$0x1C000] =	vst v63  }
0x130: {  	s16 =	sadd.s32 $0x50, s30;
	s5 =	simm.s32 $0x14100;
	s0 =	rddreg [dreg:$0x8]  }
0x131: {  	[tilespmem:s5], [sflag:$0x9] =	stream.linear.gather [hbm4b:s16+s14], $0x50, $0x38;
	[tilespmem:$0x1C000] =	vst v63  }
0x132: {  	s0 =	sadd.s32 s29, s0  }
0x133: {  	[tilespmem:s6], [sflag:$0x9] =	stream.linear.gather [hbm4b:s0+s14], $0x50, $0x38;
	[tilespmem:$0x1C000] =	vst v63  }
0x134: {  	_ =	swait.ge [sflag:s20], $0x2800  }
0x135: {  	[sflag:s20] =	ssyncset.done $0x0  }
0x136: {  	[sflag:s20] =	ssyncadd.s32 $0xFFFFD800  }
0x137: {  	s16 =	simm.s32 $0x14600;
	s31 =	rddreg [dreg:$0x3]  }
0x138: {  	[spmem:s31] =	stream.indirect.scatter.add.f32 [tilespmem:s2], [sflag:$0x5], $0x80, s16, s3, $0xb8;
	[tilespmem:$0x1C000] =	vst v63  }
0x139: {  	_ =	swait.ge [sflag:s25], $0x2800  }
0x13a: {  	[sflag:s25] =	ssyncset.done $0x0  }
0x13b: {  	[sflag:s25] =	ssyncadd.s32 $0xFFFFD800  }
0x13c: {  	_ =	swait.ge [sflag:s15], $0x50  }
0x13d: {  	[sflag:s15] =	ssyncset.done $0x0  }
0x13e: {  	[sflag:s15] =	ssyncadd.s32 $0xFFFFFFB0  }
0x13f: {  	_ =	swait.ge [sflag:s15], $0x50  }
0x140: {  	[sflag:s15] =	ssyncset.done $0x0  }
0x141: {  	[sflag:s15] =	ssyncadd.s32 $0xFFFFFFB0  }
0x142: {  	[tilespmem:s28], [sflag:$0x1] =	stream.indirect.gather [hbm4b:s11+s3], $0x80, s13, s3, $0xb8;
	[tilespmem:$0x1C000] =	vst v63  }
0x143: {  	s7 =	sadd.s32 $0x5A, s30;
	s6 =	rddreg [dreg:$0x7]  }
0x144: {  	[tilespmem:s1], [sflag:$0xA] =	stream.linear.gather [hbm4b:s7+s14], $0x50, $0x38;
	[tilespmem:$0x1C000] =	vst v63  }
0x145: {  	s0 =	sadd.s32 s29, s6  }
0x146: {  	[tilespmem:s8], [sflag:$0xA] =	stream.linear.gather [hbm4b:s0+s14], $0x50, $0x38;
	[tilespmem:$0x1C000] =	vst v63  }
0x147: {  	s1 =	rddreg [dreg:$0x3];
	_ =	swait.ge [sflag:s4], $0x2800  }
0x148: {  	[sflag:s4] =	ssyncset.done $0x0  }
0x149: {  	s25 =	simm.s32 $0x14680;
	[sflag:s4] =	ssyncadd.s32 $0xFFFFD800  }
0x14a: {  	[spmem:s1] =	stream.indirect.scatter.add.f32 [tilespmem:s9], [sflag:$0x6], $0x80, s25, s3, $0xb8;
	[tilespmem:$0x1C000] =	vst v63  }
0x14b: {  	_ =	swait.ge [sflag:s26], $0x2800  }
0x14c: {  	[sflag:s26] =	ssyncset.done $0x0  }
0x14d: {  	[sflag:s26] =	ssyncadd.s32 $0xFFFFD800  }
0x14e: {  	_ =	swait.ge [sflag:s19], $0x50  }
0x14f: {  	[sflag:s19] =	ssyncset.done $0x0  }
0x150: {  	[sflag:s19] =	ssyncadd.s32 $0xFFFFFFB0  }
0x151: {  	_ =	swait.ge [sflag:s19], $0x50  }
0x152: {  	[sflag:s19] =	ssyncset.done $0x0  }
0x153: {  	[sflag:s19] =	ssyncadd.s32 $0xFFFFFFB0  }
0x154: {  	[tilespmem:s2], [sflag:$0x2] =	stream.indirect.gather [hbm4b:s11+s3], $0x80, s22, s3, $0xb8;
	[tilespmem:$0x1C000] =	vst v63  }
0x155: {  	s30 =	sadd.s32 $0x64, s30;
	s26 =	rddreg [dreg:$0x6]  }
0x156: {  	[tilespmem:s12], [sflag:$0xB] =	stream.linear.gather [hbm4b:s30+s14], $0x50, $0x38;
	[tilespmem:$0x1C000] =	vst v63  }
0x157: {  	s0 =	sadd.s32 s29, s26  }
0x158: {  	[tilespmem:s16], [sflag:$0xB] =	stream.linear.gather [hbm4b:s0+s14], $0x50, $0x38;
	[tilespmem:$0x1C000] =	vst v63  }
0x159: {  	_ =	swait.ge [sflag:s10], $0x2800  }
0x15a: {  	[sflag:s10] =	ssyncset.done $0x0  }
0x15b: {  	s31 =	simm.s32 $0x14400;
	[sflag:s10] =	ssyncadd.s32 $0xFFFFD800;
	s10 =	simm.s32 $0x50  }
0x15c: {  	[spmem:s1] =	stream.indirect.scatter.add.f32 [tilespmem:s28], [sflag:$0x4], $0x80, s31, s10, $0xb8;
	[tilespmem:$0x1C000] =	vst v63  }
0x15d: {  	_ =	swait.ge [sflag:s17], $0x2800  }
0x15e: {  	[sflag:s17] =	ssyncset.done $0x0  }
0x15f: {  	[sflag:s17] =	ssyncadd.s32 $0xFFFFD800  }
0x160: {  	_ =	swait.ge [sflag:s24], $0x50  }
0x161: {  	[sflag:s24] =	ssyncset.done $0x0  }
0x162: {  	[sflag:s24] =	ssyncadd.s32 $0xFFFFFFB0  }
0x163: {  	_ =	swait.ge [sflag:s24], $0x50  }
0x164: {  	s23 =	sadd.s32 $0x3C, s23;
	p1 =	seq.s32 s29, $0x474;
	[sflag:s24] =	ssyncset.done $0x0  }
0x165: {  	p0 =	sne.s32 s23, $0x4B0;
	s30 =	sadd.s32 @!p1 s29, s21;
	[sflag:s24] =	ssyncadd.s32 $0xFFFFFFB0  }
0x166: {  	[tilespmem:s9], [sflag:$0x3] =	stream.indirect.gather [hbm4b:s11+s10], $0x80, s5, s10, $0xb8;
	[tilespmem:$0x1C000] =	vst v63  }
0x167: {  	s2 =	simm.s32 @!p1 $0x14280;
	s30 =	sadd.s32 @!p1 $0x6E, s30;
	s31 =	simm.s32 @!p1 $0x0  }
0x168: {  	[tilespmem:s2], [sflag:$0xC] =	stream.linear.gather @!p1 [hbm4b:s30+s31], $0x50, $0x38;
	[tilespmem:$0x1C000] =	vst v63  }
.Ltmp1:
0x169: {  	s6 =	simm.s32 $0x14580;
	s0 =	rddreg [dreg:$0x5];
	(pc) =	sbr.rel @p0 .LBB2_4-.Ltmp1, $4  }
0x16a: {  	s13 =	simm.s32 $0x14180;
	s0 =	sadd.s32 @!p1 s29, s0;
	s29 =	simm.s32 @!p1 $0x14680  }
0x16b: {  	[tilespmem:s29], [sflag:$0xC] =	stream.linear.gather @!p1 [hbm4b:s0+s31], $0x50, $0x38;
	[tilespmem:$0x1C000] =	vst v63  }
0x16c: {  	s7 =	simm.s32 $0x14200;
	s8 =	simm.s32 $0x19800;
	_ =	swait.ge [sflag:s20], $0x2800  }
0x16d: {  	s12 =	simm.s32 $0x14600;
	s2 =	simm.s32 $0x17000;
	[sflag:s20] =	ssyncset.done $0x0  }
0x16e: {  	s9 =	simm.s32 $0x2  }
0x16f: {  	s0 =	simm.s32 $0x14480;
	s5 =	simm.s32 $0x4;
	[sflag:s9] =	ssyncadd.s32 $0xFFFFD800  }
0x170: {  	[spmem:s1] =	stream.indirect.scatter.add.f32 [tilespmem:s2], [sflag:$0x5], $0x80, s0, s10, $0xb8;
	[tilespmem:$0x1C000] =	vst v63  }
0x171: {  	_ =	swait.ge [sflag:s5], $0x2800  }
0x172: {  	[sflag:s5] =	ssyncset.done $0x0  }
0x173: {  	s19 =	simm.s32 $0xA;
	[sflag:s5] =	ssyncadd.s32 $0xFFFFD800  }
0x174: {  	_ =	swait.ge [sflag:s19], $0x50  }
0x175: {  	[sflag:s19] =	ssyncset.done $0x0  }
0x176: {  	[sflag:s19] =	ssyncadd.s32 $0xFFFFFFB0  }
0x177: {  	_ =	swait.ge [sflag:s19], $0x50  }
0x178: {  	[sflag:s19] =	ssyncset.done $0x0  }
0x179: {  	s20 =	simm.s32 $0x14800;
	s3 =	simm.s32 $0x3;
	[sflag:s19] =	ssyncadd.s32 $0xFFFFFFB0  }
0x17a: {  	[tilespmem:s20], [sflag:$0x1] =	stream.indirect.gather [hbm4b:s11+s10], $0x80, s13, s10, $0xb8;
	[tilespmem:$0x1C000] =	vst v63  }
0x17b: {  	_ =	swait.ge [sflag:s3], $0x2800  }
0x17c: {  	[sflag:s3] =	ssyncset.done $0x0  }
0x17d: {  	s21 =	simm.s32 $0x14500;
	s4 =	simm.s32 $0x5;
	[sflag:s3] =	ssyncadd.s32 $0xFFFFD800  }
0x17e: {  	[spmem:s1] =	stream.indirect.scatter.add.f32 [tilespmem:s8], [sflag:$0x6], $0x80, s21, s10, $0xb8;
	[tilespmem:$0x1C000] =	vst v63  }
0x17f: {  	_ =	swait.ge [sflag:s4], $0x2800  }
0x180: {  	[sflag:s4] =	ssyncset.done $0x0  }
0x181: {  	s22 =	simm.s32 $0xB;
	[sflag:s4] =	ssyncadd.s32 $0xFFFFD800  }
0x182: {  	_ =	swait.ge [sflag:s22], $0x50  }
0x183: {  	[sflag:s22] =	ssyncset.done $0x0  }
0x184: {  	[sflag:s22] =	ssyncadd.s32 $0xFFFFFFB0  }
0x185: {  	_ =	swait.ge [sflag:s22], $0x50  }
0x186: {  	[sflag:s22] =	ssyncset.done $0x0  }
0x187: {  	s23 =	simm.s32 $0x1;
	[sflag:s22] =	ssyncadd.s32 $0xFFFFFFB0  }
0x188: {  	[tilespmem:s2], [sflag:$0x2] =	stream.indirect.gather [hbm4b:s11+s10], $0x80, s7, s10, $0xb8;
	[tilespmem:$0x1C000] =	vst v63  }
0x189: {  	_ =	swait.ge [sflag:s23], $0x2800  }
0x18a: {  	[sflag:s23] =	ssyncset.done $0x0  }
0x18b: {  	s24 =	simm.s32 $0x6;
	[sflag:s23] =	ssyncadd.s32 $0xFFFFD800  }
0x18c: {  	[spmem:s1] =	stream.indirect.scatter.add.f32 [tilespmem:s20], [sflag:$0x4], $0x80, s6, s10, $0xb8;
	[tilespmem:$0x1C000] =	vst v63  }
0x18d: {  	_ =	swait.ge [sflag:s24], $0x2800  }
0x18e: {  	[sflag:s24] =	ssyncset.done $0x0  }
0x18f: {  	[sflag:s24] =	ssyncadd.s32 $0xFFFFD800  }
0x190: {  	_ =	swait.ge [sflag:s9], $0x2800  }
0x191: {  	[sflag:s9] =	ssyncset.done $0x0  }
0x192: {  	[sflag:s9] =	ssyncadd.s32 $0xFFFFD800  }
0x193: {  	[spmem:s1] =	stream.indirect.scatter.add.f32 [tilespmem:s2], [sflag:$0x5], $0x80, s12, s10, $0xb8;
	[tilespmem:$0x1C000] =	vst v63  }
0x194: {  	_ =	swait.ge [sflag:s5], $0x2800  }
0x195: {  	[sflag:s5] =	ssyncset.done $0x0  }
0x196: {  	[sflag:s5] =	ssyncadd.s32 $0xFFFFD800  }
0x197: {  	_ =	swait.ge [sflag:s4], $0x2800  }
0x198: {  	[sflag:s4] =	ssyncset.done $0x0  }
0x199: {  	[sflag:s4] =	ssyncadd.s32 $0xFFFFD800  }
0x19a: {  	s25 =	stileid.u32;
	[bflag:$0x0] =	sbarrier.arrive $0xFFFF  }
0x19b: {  	s28 =	simm.s32 $0xD;
	s0 =	sshll.u32 s25, $0x6;
	s30 =	rddreg [dreg:$0x14]  }
0x19c: {  	s0 =	sor.u32 $0x1C0D, s0;
	s23 =	rddreg [dreg:$0x1e];
	s26 =	sshrl.u32 s30, $0x3  }
0x19d: {  	[hbm:s23], [sflag:s0] =	dma.local [spmem:s26], $0x2800  }
0x19e: {  	_ =	swait.ge [sflag:s28], $0x2800  }
0x19f: {  	s29 =	sld [smem:$0x7FB]  }
0x1a0: {  	s16 =	simm.s32 $0x14100  }
0x1a1: {  	s17 =	simm.s32 $0x14500;
	s18 =	simm.s32 $0x14580;
	s15 =	simm.s32 $0x8  }
0x1a2: {  	s25 =	simm.s32 $0x4;
	s31 =	rddreg [dreg:$0x1f];
	s3 =	sadd.s32 $0x1, s29  }
0x1a3: {  	s19 =	simm.s32 $0x1;
	s13 =	simm.s32 $0x5;
	p0 =	sne.s32 s3, s31  }
.Ltmp2:
0x1a4: {  	s8 =	simm.s32 $0x14480;
	s21 =	simm.s32 $0x14800;
	(pc) =	sbr.rel @p0 .LBB2_1-.Ltmp2, $4  }
0x1a5: {  	s7 =	simm.s32 $0x14080;
	s6 =	simm.s32 $0x14400;
	s20 =	simm.s32 $0x9  }
0x1a6: {  	s24 =	simm.s32 $0x2;
	s9 =	simm.s32 $0x7;
	s2 =	simm.s32 $0x14000  }
0x1a7: {  	s12 =	simm.s32 $0x14180;
	s1 =	smov.u32 s11;
	[sflag:s28] =	ssyncset.done $0x0  }
0x1a8: {  	s4 =	simm.s32 $0x0;
	s26 =	simm.s32 $0xC;
	[sflag:s28] =	ssyncadd.s32 $0xFFFFD800  }
0x1a9: {  	_ =	sfence.sel $0x180000  }
0x1aa: {  	[bflag:$0x0] =	sbarrier.arrive $0xFFFF  }
0x1ab: {  	_ =	strace $0x90000047  }
0x1ac: {  	s0 =	stileid.u32;
	[bflag:$0x2] =	sbarrier.arrive $0xFFFF  }
0x1ad: {  	p0 =	sne.s32 s0, $0x0;
	s0 =	rddreg [dreg:$0x4]  }
0x1ae: {  	s0 =	sadd.s32 @!p0 $0x100000, s0  }
0x1af: {  	[sflag:s0] =	ssyncadd.tile.s32 @!p0 $0x1;
	_ =	shalt  }
.Lfunc_end2:
_tile_overlayer_lowered:
.L_overlay_start_2:
0x1b0: {  	(tag) =	ssettag $0x2  }
0x1b1: {  	s0 =	rddreg [dreg:$0x0];
	s2 =	stileid.u32  }
0x1b2: {  	s1 =	rddreg [dreg:$0x1];
	p0 =	sne.s32 s2, $0x0  }
0x1b3: {  	s3 =	rddreg [dreg:$0x2];
	[bflag:$0x3] =	sbarrier.arrive $0xFFFF;
	s2 =	simm.s32 @!p0 $0x1C0D  }
0x1b4: {  	[timem:s3], [sflag:s2] =	dma.local @!p0 [hbm:s0], s1  }
0x1b5: {  	s0 =	simm.s32 @!p0 $0xD  }
0x1b6: {  	_ =	swait.ge @!p0 [sflag:s0], s1  }
0x1b7: {  	s1 =	ssub.s32 @!p0 $0x0, s1;
	[sflag:s0] =	ssyncset.done @!p0 $0x0  }
0x1b8: {  	[sflag:s0] =	ssyncadd.s32 @!p0 s1  }
0x1b9: {  	[bflag:$0x3] =	sbarrier.arrive $0xFFFF  }
0x1ba: {  	_ =	shalt  }

</sc_bundles>
